<compile_context>
chip_gen: v7x
topology: tpu7x:2x2x1
jax: 0.10.2.dev20260603
libtpu: 0.0.44.dev20260713+nightly
codegen_flags: <defaults>
</compile_context>

<pallas_src>
import functools

import jax
import jax.numpy as jnp
from jax import lax
from jax.experimental import pallas as pl
from jax.experimental.pallas import tpu as pltpu
from jax.experimental.pallas import tpu_sc as plsc

VOCAB = 62
EMB_D = 4
CTX = 20
NUM_CORES = 2
NUM_SUBCORES = 16
LANES = 16
NW = NUM_CORES * NUM_SUBCORES


def _sc_sum_embeds_t(inputs, emb_flat):
    B = inputs.shape[1]
    b_per_w = B // NW
    EPAD = emb_flat.shape[0]
    mesh = plsc.VectorSubcoreMesh(core_axis_name="c", subcore_axis_name="s")

    @functools.partial(
        pl.kernel,
        out_type=jax.ShapeDtypeStruct((EMB_D, B), jnp.float32),
        mesh=mesh,
        scratch_types=[
            pltpu.VMEM((CTX, b_per_w), jnp.int32),
            pltpu.VMEM((EPAD,), jnp.float32),
            pltpu.VMEM((EMB_D, b_per_w), jnp.float32),
        ],
        compiler_params=pltpu.CompilerParams(needs_layout_passes=False),
    )
    def sc_kernel(x_hbm, emb_hbm, out_hbm, x_v, e_v, s_v):
        wid = lax.axis_index("s") * NUM_CORES + lax.axis_index("c")
        base = wid * b_per_w
        pltpu.sync_copy(x_hbm.at[:, pl.ds(base, b_per_w)], x_v)
        pltpu.sync_copy(emb_hbm, e_v)

        UNROLL = 2

        def group(g, carry):
            for u in range(UNROLL):
                i0 = (g * UNROLL + u) * LANES
                accs = [jnp.zeros((LANES,), jnp.float32) for _ in range(EMB_D)]
                for c in range(CTX):
                    xc4 = x_v[c, pl.ds(i0, LANES)] * EMB_D
                    for d in range(EMB_D):
                        accs[d] += plsc.load_gather(e_v, [xc4 + d])
                for d in range(EMB_D):
                    s_v[d, pl.ds(i0, LANES)] = accs[d]
            return carry

        lax.fori_loop(0, b_per_w // (LANES * UNROLL), group, 0)
        pltpu.sync_copy(s_v, out_hbm.at[:, pl.ds(base, b_per_w)])

    return sc_kernel(inputs, emb_flat)


def _tc_head_t(sum_embeds_t, w_t, bias_col):
    B = sum_embeds_t.shape[1]
    BLK = 8192

    def body(s_ref, w_ref, b_ref, o_ref):
        logits = lax.dot_general(
            w_ref[...], s_ref[...], (((0,), (0,)), ((), ()))
        ) + jnp.broadcast_to(b_ref[...], (VOCAB, BLK))
        ez = jnp.exp(logits)
        ssum = lax.dot_general(
            jnp.ones((VOCAB, VOCAB), jnp.float32), ez, (((1,), (0,)), ((), ()))
        )
        o_ref[...] = logits - jnp.log(ssum)

    return pl.pallas_call(
        body,
        grid=(B // BLK,),
        in_specs=[
            pl.BlockSpec((EMB_D, BLK), lambda i: (0, i)),
            pl.BlockSpec((EMB_D, VOCAB), lambda i: (0, 0)),
            pl.BlockSpec((VOCAB, 1), lambda i: (0, 0)),
        ],
        out_specs=pl.BlockSpec((VOCAB, BLK), lambda i: (0, i)),
        out_shape=jax.ShapeDtypeStruct((VOCAB, B), jnp.float32),
    )(sum_embeds_t, w_t, bias_col)


def kernel(inputs, embedding, W, b):
    sum_embeds_t = _sc_sum_embeds_t(inputs.astype(jnp.int32), embedding.reshape(-1))
    out_t = _tc_head_t(sum_embeds_t, W.T, b.reshape(VOCAB, 1))
    return out_t.T

# --- scband reference (transcript-rebuilt; emitter-appended) ---
"""Pipeline reference for scband-cbow-71004399338142 (READ-ONLY COPY).

The authoritative reference and input builder live on the scoring server;
editing this copy changes nothing except your own understanding.
"""

import jax, jax.numpy as jnp
import numpy as np

VOCAB_SIZE = 62
EMBEDDING_DIMENSIONS = 4
CONTEXT = 20
BATCH = 16384


def setup_inputs(seed: int = 0) -> dict:
    key = jax.random.key(seed)
    k1, k2, k3, k4 = jax.random.split(key, 4)
    inputs = jax.random.randint(k1, (CONTEXT, BATCH), 0, VOCAB_SIZE, dtype=jnp.int64 if jax.config.jax_enable_x64 else jnp.int32)
    # self.embedding = Variable(torch.rand(VOCAB_SIZE, EMBEDDING_DIMENSIONS))
    embedding = jax.random.uniform(k2, (VOCAB_SIZE, EMBEDDING_DIMENSIONS), dtype=jnp.float32)
    # nn.Linear(EMBEDDING_DIMENSIONS, VOCAB_SIZE): W [out, in], b [out]
    bound = 1.0 / np.sqrt(EMBEDDING_DIMENSIONS)
    W = jax.random.uniform(k3, (VOCAB_SIZE, EMBEDDING_DIMENSIONS), dtype=jnp.float32, minval=-bound, maxval=bound)
    b = jax.random.uniform(k4, (VOCAB_SIZE,), dtype=jnp.float32, minval=-bound, maxval=bound)
    return {"inputs": inputs, "embedding": embedding, "W": W, "b": b}


def reference(inputs, embedding, W, b):
    # embeds = [self.embedding[i] for i in inputs]; sum(embeds)
    # inputs: [CONTEXT, BATCH]; each row i indexes the embedding table -> [BATCH, D]
    embeds = jnp.take(embedding, inputs, axis=0)  # [CONTEXT, BATCH, D]
    sum_embeds = jnp.sum(embeds, axis=0)          # [BATCH, D]
    transformed = sum_embeds @ W.T + b            # [BATCH, VOCAB]
    # F.log_softmax with implicit dim -> last dim for 2D input
    return jax.nn.log_softmax(transformed, axis=-1)

if __name__ == "__main__":
    import jax
    _d = setup_inputs()
    print(jax.jit(kernel)(*tuple(_d.values())))

</pallas_src>

<mosaic_0001>
#map = affine_map<(d0, d1) -> (0, 0)>
#map1 = affine_map<(d0, d1) -> (0)>
module attributes {stable_mosaic.version = 14 : i64} {
  func.func @sc_kernel(%arg0: i32, %arg1: i32, %arg2: memref<20x16384xi32, #tpu.memory_space<hbm>>, %arg3: memref<248xf32, #tpu.memory_space<hbm>>, %arg4: memref<4x16384xf32, #tpu.memory_space<hbm>>, %arg5: memref<20x512xi32, #tpu.memory_space<vmem>>, %arg6: memref<248xf32, #tpu.memory_space<vmem>>, %arg7: memref<4x512xf32, #tpu.memory_space<vmem>>) attributes {dimension_semantics = [#tpu.dimension_semantics<core_parallel>, #tpu.dimension_semantics<subcore_parallel>], iteration_bounds = array<i64: 2, 16>, scalar_prefetch = 0 : i64, scratch_operands = 3 : i64, tpu.core_type = #tpu.core_type<sc_vector_subcore>, window_params = [{transform_indices = #map}, {transform_indices = #map1}, {transform_indices = #map}]} {
    %mul3A = arith.constant 2 : i32
    %mul3A_0 = arith.muli %arg1, %mul3A : i32
    %add3A = arith.addi %mul3A_0, %arg0 : i32
    %mul3A_1 = arith.constant 512 : i32
    %mul3A_2 = arith.muli %add3A, %mul3A_1 : i32
    "tpu.region"() ({
      %run_scoped3A = tpu.sem_alloc : memref<!tpu.dma_semaphore, #tpu.memory_space<semaphore_mem>>
      %dma_start3A = arith.constant 0 : i32
      %dma_start3A_8 = tpu.memref_slice %arg2[%dma_start3A, %mul3A_2] : memref<20x16384xi32, #tpu.memory_space<hbm>> -> memref<20x512xi32, #tpu.memory_space<hbm>>
      %dma_start3A_9 = arith.constant 0 : i32
      %dma_start3A_10 = tpu.memref_slice %arg2[%dma_start3A_9, %mul3A_2] : memref<20x16384xi32, #tpu.memory_space<hbm>> -> memref<20x512xi32, #tpu.memory_space<hbm>>
      tpu.enqueue_dma source(%dma_start3A_10 : memref<20x512xi32, #tpu.memory_space<hbm>>) target(%arg5 : memref<20x512xi32, #tpu.memory_space<vmem>>) target_semaphore(%run_scoped3A : memref<!tpu.dma_semaphore, #tpu.memory_space<semaphore_mem>>)
      %dma_wait3A = arith.constant 0 : i32
      %dma_wait3A_11 = tpu.memref_slice %arg2[%dma_wait3A, %mul3A_2] : memref<20x16384xi32, #tpu.memory_space<hbm>> -> memref<20x512xi32, #tpu.memory_space<hbm>>
      %dma_wait3A_12 = arith.constant 0 : i32
      %dma_wait3A_13 = tpu.memref_slice %arg2[%dma_wait3A_12, %mul3A_2] : memref<20x16384xi32, #tpu.memory_space<hbm>> -> memref<20x512xi32, #tpu.memory_space<hbm>>
      tpu.wait_dma2 semaphore(%run_scoped3A : memref<!tpu.dma_semaphore, #tpu.memory_space<semaphore_mem>>) src(%dma_wait3A_13 : memref<20x512xi32, #tpu.memory_space<hbm>>) dst(%arg5 : memref<20x512xi32, #tpu.memory_space<vmem>>)
      tpu.yield
    }) : () -> ()
    "tpu.region"() ({
      %run_scoped3A = tpu.sem_alloc : memref<!tpu.dma_semaphore, #tpu.memory_space<semaphore_mem>>
      tpu.enqueue_dma source(%arg3 : memref<248xf32, #tpu.memory_space<hbm>>) target(%arg6 : memref<248xf32, #tpu.memory_space<vmem>>) target_semaphore(%run_scoped3A : memref<!tpu.dma_semaphore, #tpu.memory_space<semaphore_mem>>)
      tpu.wait_dma2 semaphore(%run_scoped3A : memref<!tpu.dma_semaphore, #tpu.memory_space<semaphore_mem>>) src(%arg3 : memref<248xf32, #tpu.memory_space<hbm>>) dst(%arg6 : memref<248xf32, #tpu.memory_space<vmem>>)
      tpu.yield
    }) : () -> ()
    %scan3A = arith.constant 0 : i32
    %scan3A_3 = arith.constant 0 : i32
    %scan3A_4 = arith.constant 16 : i32
    %scan3A_5 = arith.addi %scan3A_3, %scan3A_4 : i32
    %scan3A_6 = arith.constant 1 : i32
    scf.for %scan3A_8 = %scan3A_3 to %scan3A_5 step %scan3A_6  : i32 {
      %mul3A_9 = arith.constant 2 : i32
      %mul3A_10 = arith.muli %scan3A_8, %mul3A_9 : i32
      %add3A_11 = arith.constant 0 : i32
      %add3A_12 = arith.addi %mul3A_10, %add3A_11 : i32
      %mul3A_13 = arith.constant 16 : i32
      %mul3A_14 = arith.muli %add3A_12, %mul3A_13 : i32
      %broadcast_in_dim3A = arith.constant 0.000000e+00 : f32
      %broadcast_in_dim3A_15 = vector.broadcast %broadcast_in_dim3A : f32 to vector<16xf32>
      %broadcast_in_dim3A_16 = arith.constant 0.000000e+00 : f32
      %broadcast_in_dim3A_17 = vector.broadcast %broadcast_in_dim3A_16 : f32 to vector<16xf32>
      %broadcast_in_dim3A_18 = arith.constant 0.000000e+00 : f32
      %broadcast_in_dim3A_19 = vector.broadcast %broadcast_in_dim3A_18 : f32 to vector<16xf32>
      %broadcast_in_dim3A_20 = arith.constant 0.000000e+00 : f32
      %broadcast_in_dim3A_21 = vector.broadcast %broadcast_in_dim3A_20 : f32 to vector<16xf32>
      %get3A = arith.constant 0 : i32
      %get3A_22 = arith.index_cast %get3A : i32 to index
      %get3A_23 = arith.index_cast %mul3A_14 : i32 to index
      %get3A_24 = tpu.vector_load %arg5[%get3A_22, %get3A_23] {strides = array<i32>} : memref<20x512xi32, #tpu.memory_space<vmem>>, vector<16xi32>,
      %mul3A_25 = arith.constant 4 : i32
      %mul3A_26 = vector.broadcast %mul3A_25 : i32 to vector<16xi32>
      %mul3A_27 = arith.muli %get3A_24, %mul3A_26 : vector<16xi32>
      %add3A_28 = arith.constant 0 : i32
      %add3A_29 = vector.broadcast %add3A_28 : i32 to vector<16xi32>
      %add3A_30 = arith.addi %mul3A_27, %add3A_29 : vector<16xi32>
      %gather3A = tpu.vector_load_idx %arg6[%add3A_30] : memref<248xf32, #tpu.memory_space<vmem>>[vector<16xi32>], vector<16xf32>,
      %add3A_31 = arith.addf %broadcast_in_dim3A_15, %gather3A : vector<16xf32>
      %add3A_32 = arith.constant 1 : i32
      %add3A_33 = vector.broadcast %add3A_32 : i32 to vector<16xi32>
      %add3A_34 = arith.addi %mul3A_27, %add3A_33 : vector<16xi32>
      %gather3A_35 = tpu.vector_load_idx %arg6[%add3A_34] : memref<248xf32, #tpu.memory_space<vmem>>[vector<16xi32>], vector<16xf32>,
      %add3A_36 = arith.addf %broadcast_in_dim3A_17, %gather3A_35 : vector<16xf32>
      %add3A_37 = arith.constant 2 : i32
      %add3A_38 = vector.broadcast %add3A_37 : i32 to vector<16xi32>
      %add3A_39 = arith.addi %mul3A_27, %add3A_38 : vector<16xi32>
      %gather3A_40 = tpu.vector_load_idx %arg6[%add3A_39] : memref<248xf32, #tpu.memory_space<vmem>>[vector<16xi32>], vector<16xf32>,
      %add3A_41 = arith.addf %broadcast_in_dim3A_19, %gather3A_40 : vector<16xf32>
      %add3A_42 = arith.constant 3 : i32
      %add3A_43 = vector.broadcast %add3A_42 : i32 to vector<16xi32>
      %add3A_44 = arith.addi %mul3A_27, %add3A_43 : vector<16xi32>
      %gather3A_45 = tpu.vector_load_idx %arg6[%add3A_44] : memref<248xf32, #tpu.memory_space<vmem>>[vector<16xi32>], vector<16xf32>,
      %add3A_46 = arith.addf %broadcast_in_dim3A_21, %gather3A_45 : vector<16xf32>
      %get3A_47 = arith.constant 1 : i32
      %get3A_48 = arith.index_cast %get3A_47 : i32 to index
      %get3A_49 = arith.index_cast %mul3A_14 : i32 to index
      %get3A_50 = tpu.vector_load %arg5[%get3A_48, %get3A_49] {strides = array<i32>} : memref<20x512xi32, #tpu.memory_space<vmem>>, vector<16xi32>,
      %mul3A_51 = arith.constant 4 : i32
      %mul3A_52 = vector.broadcast %mul3A_51 : i32 to vector<16xi32>
      %mul3A_53 = arith.muli %get3A_50, %mul3A_52 : vector<16xi32>
      %add3A_54 = arith.constant 0 : i32
      %add3A_55 = vector.broadcast %add3A_54 : i32 to vector<16xi32>
      %add3A_56 = arith.addi %mul3A_53, %add3A_55 : vector<16xi32>
      %gather3A_57 = tpu.vector_load_idx %arg6[%add3A_56] : memref<248xf32, #tpu.memory_space<vmem>>[vector<16xi32>], vector<16xf32>,
      %add3A_58 = arith.addf %add3A_31, %gather3A_57 : vector<16xf32>
      %add3A_59 = arith.constant 1 : i32
      %add3A_60 = vector.broadcast %add3A_59 : i32 to vector<16xi32>
      %add3A_61 = arith.addi %mul3A_53, %add3A_60 : vector<16xi32>
      %gather3A_62 = tpu.vector_load_idx %arg6[%add3A_61] : memref<248xf32, #tpu.memory_space<vmem>>[vector<16xi32>], vector<16xf32>,
      %add3A_63 = arith.addf %add3A_36, %gather3A_62 : vector<16xf32>
      %add3A_64 = arith.constant 2 : i32
      %add3A_65 = vector.broadcast %add3A_64 : i32 to vector<16xi32>
      %add3A_66 = arith.addi %mul3A_53, %add3A_65 : vector<16xi32>
      %gather3A_67 = tpu.vector_load_idx %arg6[%add3A_66] : memref<248xf32, #tpu.memory_space<vmem>>[vector<16xi32>], vector<16xf32>,
      %add3A_68 = arith.addf %add3A_41, %gather3A_67 : vector<16xf32>
      %add3A_69 = arith.constant 3 : i32
      %add3A_70 = vector.broadcast %add3A_69 : i32 to vector<16xi32>
      %add3A_71 = arith.addi %mul3A_53, %add3A_70 : vector<16xi32>
      %gather3A_72 = tpu.vector_load_idx %arg6[%add3A_71] : memref<248xf32, #tpu.memory_space<vmem>>[vector<16xi32>], vector<16xf32>,
      %add3A_73 = arith.addf %add3A_46, %gather3A_72 : vector<16xf32>
      %get3A_74 = arith.constant 2 : i32
      %get3A_75 = arith.index_cast %get3A_74 : i32 to index
      %get3A_76 = arith.index_cast %mul3A_14 : i32 to index
      %get3A_77 = tpu.vector_load %arg5[%get3A_75, %get3A_76] {strides = array<i32>} : memref<20x512xi32, #tpu.memory_space<vmem>>, vector<16xi32>,
      %mul3A_78 = arith.constant 4 : i32
      %mul3A_79 = vector.broadcast %mul3A_78 : i32 to vector<16xi32>
      %mul3A_80 = arith.muli %get3A_77, %mul3A_79 : vector<16xi32>
      %add3A_81 = arith.constant 0 : i32
      %add3A_82 = vector.broadcast %add3A_81 : i32 to vector<16xi32>
      %add3A_83 = arith.addi %mul3A_80, %add3A_82 : vector<16xi32>
      %gather3A_84 = tpu.vector_load_idx %arg6[%add3A_83] : memref<248xf32, #tpu.memory_space<vmem>>[vector<16xi32>], vector<16xf32>,
      %add3A_85 = arith.addf %add3A_58, %gather3A_84 : vector<16xf32>
      %add3A_86 = arith.constant 1 : i32
      %add3A_87 = vector.broadcast %add3A_86 : i32 to vector<16xi32>
      %add3A_88 = arith.addi %mul3A_80, %add3A_87 : vector<16xi32>
      %gather3A_89 = tpu.vector_load_idx %arg6[%add3A_88] : memref<248xf32, #tpu.memory_space<vmem>>[vector<16xi32>], vector<16xf32>,
      %add3A_90 = arith.addf %add3A_63, %gather3A_89 : vector<16xf32>
      %add3A_91 = arith.constant 2 : i32
      %add3A_92 = vector.broadcast %add3A_91 : i32 to vector<16xi32>
      %add3A_93 = arith.addi %mul3A_80, %add3A_92 : vector<16xi32>
      %gather3A_94 = tpu.vector_load_idx %arg6[%add3A_93] : memref<248xf32, #tpu.memory_space<vmem>>[vector<16xi32>], vector<16xf32>,
      %add3A_95 = arith.addf %add3A_68, %gather3A_94 : vector<16xf32>
      %add3A_96 = arith.constant 3 : i32
      %add3A_97 = vector.broadcast %add3A_96 : i32 to vector<16xi32>
      %add3A_98 = arith.addi %mul3A_80, %add3A_97 : vector<16xi32>
      %gather3A_99 = tpu.vector_load_idx %arg6[%add3A_98] : memref<248xf32, #tpu.memory_space<vmem>>[vector<16xi32>], vector<16xf32>,
      %add3A_100 = arith.addf %add3A_73, %gather3A_99 : vector<16xf32>
      %get3A_101 = arith.constant 3 : i32
      %get3A_102 = arith.index_cast %get3A_101 : i32 to index
      %get3A_103 = arith.index_cast %mul3A_14 : i32 to index
      %get3A_104 = tpu.vector_load %arg5[%get3A_102, %get3A_103] {strides = array<i32>} : memref<20x512xi32, #tpu.memory_space<vmem>>, vector<16xi32>,
      %mul3A_105 = arith.constant 4 : i32
      %mul3A_106 = vector.broadcast %mul3A_105 : i32 to vector<16xi32>
      %mul3A_107 = arith.muli %get3A_104, %mul3A_106 : vector<16xi32>
      %add3A_108 = arith.constant 0 : i32
      %add3A_109 = vector.broadcast %add3A_108 : i32 to vector<16xi32>
      %add3A_110 = arith.addi %mul3A_107, %add3A_109 : vector<16xi32>
      %gather3A_111 = tpu.vector_load_idx %arg6[%add3A_110] : memref<248xf32, #tpu.memory_space<vmem>>[vector<16xi32>], vector<16xf32>,
      %add3A_112 = arith.addf %add3A_85, %gather3A_111 : vector<16xf32>
      %add3A_113 = arith.constant 1 : i32
      %add3A_114 = vector.broadcast %add3A_113 : i32 to vector<16xi32>
      %add3A_115 = arith.addi %mul3A_107, %add3A_114 : vector<16xi32>
      %gather3A_116 = tpu.vector_load_idx %arg6[%add3A_115] : memref<248xf32, #tpu.memory_space<vmem>>[vector<16xi32>], vector<16xf32>,
      %add3A_117 = arith.addf %add3A_90, %gather3A_116 : vector<16xf32>
      %add3A_118 = arith.constant 2 : i32
      %add3A_119 = vector.broadcast %add3A_118 : i32 to vector<16xi32>
      %add3A_120 = arith.addi %mul3A_107, %add3A_119 : vector<16xi32>
      %gather3A_121 = tpu.vector_load_idx %arg6[%add3A_120] : memref<248xf32, #tpu.memory_space<vmem>>[vector<16xi32>], vector<16xf32>,
      %add3A_122 = arith.addf %add3A_95, %gather3A_121 : vector<16xf32>
      %add3A_123 = arith.constant 3 : i32
      %add3A_124 = vector.broadcast %add3A_123 : i32 to vector<16xi32>
      %add3A_125 = arith.addi %mul3A_107, %add3A_124 : vector<16xi32>
      %gather3A_126 = tpu.vector_load_idx %arg6[%add3A_125] : memref<248xf32, #tpu.memory_space<vmem>>[vector<16xi32>], vector<16xf32>,
      %add3A_127 = arith.addf %add3A_100, %gather3A_126 : vector<16xf32>
      %get3A_128 = arith.constant 4 : i32
      %get3A_129 = arith.index_cast %get3A_128 : i32 to index
      %get3A_130 = arith.index_cast %mul3A_14 : i32 to index
      %get3A_131 = tpu.vector_load %arg5[%get3A_129, %get3A_130] {strides = array<i32>} : memref<20x512xi32, #tpu.memory_space<vmem>>, vector<16xi32>,
      %mul3A_132 = arith.constant 4 : i32
      %mul3A_133 = vector.broadcast %mul3A_132 : i32 to vector<16xi32>
      %mul3A_134 = arith.muli %get3A_131, %mul3A_133 : vector<16xi32>
      %add3A_135 = arith.constant 0 : i32
      %add3A_136 = vector.broadcast %add3A_135 : i32 to vector<16xi32>
      %add3A_137 = arith.addi %mul3A_134, %add3A_136 : vector<16xi32>
      %gather3A_138 = tpu.vector_load_idx %arg6[%add3A_137] : memref<248xf32, #tpu.memory_space<vmem>>[vector<16xi32>], vector<16xf32>,
      %add3A_139 = arith.addf %add3A_112, %gather3A_138 : vector<16xf32>
      %add3A_140 = arith.constant 1 : i32
      %add3A_141 = vector.broadcast %add3A_140 : i32 to vector<16xi32>
      %add3A_142 = arith.addi %mul3A_134, %add3A_141 : vector<16xi32>
      %gather3A_143 = tpu.vector_load_idx %arg6[%add3A_142] : memref<248xf32, #tpu.memory_space<vmem>>[vector<16xi32>], vector<16xf32>,
      %add3A_144 = arith.addf %add3A_117, %gather3A_143 : vector<16xf32>
      %add3A_145 = arith.constant 2 : i32
      %add3A_146 = vector.broadcast %add3A_145 : i32 to vector<16xi32>
      %add3A_147 = arith.addi %mul3A_134, %add3A_146 : vector<16xi32>
      %gather3A_148 = tpu.vector_load_idx %arg6[%add3A_147] : memref<248xf32, #tpu.memory_space<vmem>>[vector<16xi32>], vector<16xf32>,
      %add3A_149 = arith.addf %add3A_122, %gather3A_148 : vector<16xf32>
      %add3A_150 = arith.constant 3 : i32
      %add3A_151 = vector.broadcast %add3A_150 : i32 to vector<16xi32>
      %add3A_152 = arith.addi %mul3A_134, %add3A_151 : vector<16xi32>
      %gather3A_153 = tpu.vector_load_idx %arg6[%add3A_152] : memref<248xf32, #tpu.memory_space<vmem>>[vector<16xi32>], vector<16xf32>,
      %add3A_154 = arith.addf %add3A_127, %gather3A_153 : vector<16xf32>
      %get3A_155 = arith.constant 5 : i32
      %get3A_156 = arith.index_cast %get3A_155 : i32 to index
      %get3A_157 = arith.index_cast %mul3A_14 : i32 to index
      %get3A_158 = tpu.vector_load %arg5[%get3A_156, %get3A_157] {strides = array<i32>} : memref<20x512xi32, #tpu.memory_space<vmem>>, vector<16xi32>,
      %mul3A_159 = arith.constant 4 : i32
      %mul3A_160 = vector.broadcast %mul3A_159 : i32 to vector<16xi32>
      %mul3A_161 = arith.muli %get3A_158, %mul3A_160 : vector<16xi32>
      %add3A_162 = arith.constant 0 : i32
      %add3A_163 = vector.broadcast %add3A_162 : i32 to vector<16xi32>
      %add3A_164 = arith.addi %mul3A_161, %add3A_163 : vector<16xi32>
      %gather3A_165 = tpu.vector_load_idx %arg6[%add3A_164] : memref<248xf32, #tpu.memory_space<vmem>>[vector<16xi32>], vector<16xf32>,
      %add3A_166 = arith.addf %add3A_139, %gather3A_165 : vector<16xf32>
      %add3A_167 = arith.constant 1 : i32
      %add3A_168 = vector.broadcast %add3A_167 : i32 to vector<16xi32>
      %add3A_169 = arith.addi %mul3A_161, %add3A_168 : vector<16xi32>
      %gather3A_170 = tpu.vector_load_idx %arg6[%add3A_169] : memref<248xf32, #tpu.memory_space<vmem>>[vector<16xi32>], vector<16xf32>,
      %add3A_171 = arith.addf %add3A_144, %gather3A_170 : vector<16xf32>
      %add3A_172 = arith.constant 2 : i32
      %add3A_173 = vector.broadcast %add3A_172 : i32 to vector<16xi32>
      %add3A_174 = arith.addi %mul3A_161, %add3A_173 : vector<16xi32>
      %gather3A_175 = tpu.vector_load_idx %arg6[%add3A_174] : memref<248xf32, #tpu.memory_space<vmem>>[vector<16xi32>], vector<16xf32>,
      %add3A_176 = arith.addf %add3A_149, %gather3A_175 : vector<16xf32>
      %add3A_177 = arith.constant 3 : i32
      %add3A_178 = vector.broadcast %add3A_177 : i32 to vector<16xi32>
      %add3A_179 = arith.addi %mul3A_161, %add3A_178 : vector<16xi32>
      %gather3A_180 = tpu.vector_load_idx %arg6[%add3A_179] : memref<248xf32, #tpu.memory_space<vmem>>[vector<16xi32>], vector<16xf32>,
      %add3A_181 = arith.addf %add3A_154, %gather3A_180 : vector<16xf32>
      %get3A_182 = arith.constant 6 : i32
      %get3A_183 = arith.index_cast %get3A_182 : i32 to index
      %get3A_184 = arith.index_cast %mul3A_14 : i32 to index
      %get3A_185 = tpu.vector_load %arg5[%get3A_183, %get3A_184] {strides = array<i32>} : memref<20x512xi32, #tpu.memory_space<vmem>>, vector<16xi32>,
      %mul3A_186 = arith.constant 4 : i32
      %mul3A_187 = vector.broadcast %mul3A_186 : i32 to vector<16xi32>
      %mul3A_188 = arith.muli %get3A_185, %mul3A_187 : vector<16xi32>
      %add3A_189 = arith.constant 0 : i32
      %add3A_190 = vector.broadcast %add3A_189 : i32 to vector<16xi32>
      %add3A_191 = arith.addi %mul3A_188, %add3A_190 : vector<16xi32>
      %gather3A_192 = tpu.vector_load_idx %arg6[%add3A_191] : memref<248xf32, #tpu.memory_space<vmem>>[vector<16xi32>], vector<16xf32>,
      %add3A_193 = arith.addf %add3A_166, %gather3A_192 : vector<16xf32>
      %add3A_194 = arith.constant 1 : i32
      %add3A_195 = vector.broadcast %add3A_194 : i32 to vector<16xi32>
      %add3A_196 = arith.addi %mul3A_188, %add3A_195 : vector<16xi32>
      %gather3A_197 = tpu.vector_load_idx %arg6[%add3A_196] : memref<248xf32, #tpu.memory_space<vmem>>[vector<16xi32>], vector<16xf32>,
      %add3A_198 = arith.addf %add3A_171, %gather3A_197 : vector<16xf32>
      %add3A_199 = arith.constant 2 : i32
      %add3A_200 = vector.broadcast %add3A_199 : i32 to vector<16xi32>
      %add3A_201 = arith.addi %mul3A_188, %add3A_200 : vector<16xi32>
      %gather3A_202 = tpu.vector_load_idx %arg6[%add3A_201] : memref<248xf32, #tpu.memory_space<vmem>>[vector<16xi32>], vector<16xf32>,
      %add3A_203 = arith.addf %add3A_176, %gather3A_202 : vector<16xf32>
      %add3A_204 = arith.constant 3 : i32
      %add3A_205 = vector.broadcast %add3A_204 : i32 to vector<16xi32>
      %add3A_206 = arith.addi %mul3A_188, %add3A_205 : vector<16xi32>
      %gather3A_207 = tpu.vector_load_idx %arg6[%add3A_206] : memref<248xf32, #tpu.memory_space<vmem>>[vector<16xi32>], vector<16xf32>,
      %add3A_208 = arith.addf %add3A_181, %gather3A_207 : vector<16xf32>
      %get3A_209 = arith.constant 7 : i32
      %get3A_210 = arith.index_cast %get3A_209 : i32 to index
      %get3A_211 = arith.index_cast %mul3A_14 : i32 to index
      %get3A_212 = tpu.vector_load %arg5[%get3A_210, %get3A_211] {strides = array<i32>} : memref<20x512xi32, #tpu.memory_space<vmem>>, vector<16xi32>,
      %mul3A_213 = arith.constant 4 : i32
      %mul3A_214 = vector.broadcast %mul3A_213 : i32 to vector<16xi32>
      %mul3A_215 = arith.muli %get3A_212, %mul3A_214 : vector<16xi32>
      %add3A_216 = arith.constant 0 : i32
      %add3A_217 = vector.broadcast %add3A_216 : i32 to vector<16xi32>
      %add3A_218 = arith.addi %mul3A_215, %add3A_217 : vector<16xi32>
      %gather3A_219 = tpu.vector_load_idx %arg6[%add3A_218] : memref<248xf32, #tpu.memory_space<vmem>>[vector<16xi32>], vector<16xf32>,
      %add3A_220 = arith.addf %add3A_193, %gather3A_219 : vector<16xf32>
      %add3A_221 = arith.constant 1 : i32
      %add3A_222 = vector.broadcast %add3A_221 : i32 to vector<16xi32>
      %add3A_223 = arith.addi %mul3A_215, %add3A_222 : vector<16xi32>
      %gather3A_224 = tpu.vector_load_idx %arg6[%add3A_223] : memref<248xf32, #tpu.memory_space<vmem>>[vector<16xi32>], vector<16xf32>,
      %add3A_225 = arith.addf %add3A_198, %gather3A_224 : vector<16xf32>
      %add3A_226 = arith.constant 2 : i32
      %add3A_227 = vector.broadcast %add3A_226 : i32 to vector<16xi32>
      %add3A_228 = arith.addi %mul3A_215, %add3A_227 : vector<16xi32>
      %gather3A_229 = tpu.vector_load_idx %arg6[%add3A_228] : memref<248xf32, #tpu.memory_space<vmem>>[vector<16xi32>], vector<16xf32>,
      %add3A_230 = arith.addf %add3A_203, %gather3A_229 : vector<16xf32>
      %add3A_231 = arith.constant 3 : i32
      %add3A_232 = vector.broadcast %add3A_231 : i32 to vector<16xi32>
      %add3A_233 = arith.addi %mul3A_215, %add3A_232 : vector<16xi32>
      %gather3A_234 = tpu.vector_load_idx %arg6[%add3A_233] : memref<248xf32, #tpu.memory_space<vmem>>[vector<16xi32>], vector<16xf32>,
      %add3A_235 = arith.addf %add3A_208, %gather3A_234 : vector<16xf32>
      %get3A_236 = arith.constant 8 : i32
      %get3A_237 = arith.index_cast %get3A_236 : i32 to index
      %get3A_238 = arith.index_cast %mul3A_14 : i32 to index
      %get3A_239 = tpu.vector_load %arg5[%get3A_237, %get3A_238] {strides = array<i32>} : memref<20x512xi32, #tpu.memory_space<vmem>>, vector<16xi32>,
      %mul3A_240 = arith.constant 4 : i32
      %mul3A_241 = vector.broadcast %mul3A_240 : i32 to vector<16xi32>
      %mul3A_242 = arith.muli %get3A_239, %mul3A_241 : vector<16xi32>
      %add3A_243 = arith.constant 0 : i32
      %add3A_244 = vector.broadcast %add3A_243 : i32 to vector<16xi32>
      %add3A_245 = arith.addi %mul3A_242, %add3A_244 : vector<16xi32>
      %gather3A_246 = tpu.vector_load_idx %arg6[%add3A_245] : memref<248xf32, #tpu.memory_space<vmem>>[vector<16xi32>], vector<16xf32>,
      %add3A_247 = arith.addf %add3A_220, %gather3A_246 : vector<16xf32>
      %add3A_248 = arith.constant 1 : i32
      %add3A_249 = vector.broadcast %add3A_248 : i32 to vector<16xi32>
      %add3A_250 = arith.addi %mul3A_242, %add3A_249 : vector<16xi32>
      %gather3A_251 = tpu.vector_load_idx %arg6[%add3A_250] : memref<248xf32, #tpu.memory_space<vmem>>[vector<16xi32>], vector<16xf32>,
      %add3A_252 = arith.addf %add3A_225, %gather3A_251 : vector<16xf32>
      %add3A_253 = arith.constant 2 : i32
      %add3A_254 = vector.broadcast %add3A_253 : i32 to vector<16xi32>
      %add3A_255 = arith.addi %mul3A_242, %add3A_254 : vector<16xi32>
      %gather3A_256 = tpu.vector_load_idx %arg6[%add3A_255] : memref<248xf32, #tpu.memory_space<vmem>>[vector<16xi32>], vector<16xf32>,
      %add3A_257 = arith.addf %add3A_230, %gather3A_256 : vector<16xf32>
      %add3A_258 = arith.constant 3 : i32
      %add3A_259 = vector.broadcast %add3A_258 : i32 to vector<16xi32>
      %add3A_260 = arith.addi %mul3A_242, %add3A_259 : vector<16xi32>
      %gather3A_261 = tpu.vector_load_idx %arg6[%add3A_260] : memref<248xf32, #tpu.memory_space<vmem>>[vector<16xi32>], vector<16xf32>,
      %add3A_262 = arith.addf %add3A_235, %gather3A_261 : vector<16xf32>
      %get3A_263 = arith.constant 9 : i32
      %get3A_264 = arith.index_cast %get3A_263 : i32 to index
      %get3A_265 = arith.index_cast %mul3A_14 : i32 to index
      %get3A_266 = tpu.vector_load %arg5[%get3A_264, %get3A_265] {strides = array<i32>} : memref<20x512xi32, #tpu.memory_space<vmem>>, vector<16xi32>,
      %mul3A_267 = arith.constant 4 : i32
      %mul3A_268 = vector.broadcast %mul3A_267 : i32 to vector<16xi32>
      %mul3A_269 = arith.muli %get3A_266, %mul3A_268 : vector<16xi32>
      %add3A_270 = arith.constant 0 : i32
      %add3A_271 = vector.broadcast %add3A_270 : i32 to vector<16xi32>
      %add3A_272 = arith.addi %mul3A_269, %add3A_271 : vector<16xi32>
      %gather3A_273 = tpu.vector_load_idx %arg6[%add3A_272] : memref<248xf32, #tpu.memory_space<vmem>>[vector<16xi32>], vector<16xf32>,
      %add3A_274 = arith.addf %add3A_247, %gather3A_273 : vector<16xf32>
      %add3A_275 = arith.constant 1 : i32
      %add3A_276 = vector.broadcast %add3A_275 : i32 to vector<16xi32>
      %add3A_277 = arith.addi %mul3A_269, %add3A_276 : vector<16xi32>
      %gather3A_278 = tpu.vector_load_idx %arg6[%add3A_277] : memref<248xf32, #tpu.memory_space<vmem>>[vector<16xi32>], vector<16xf32>,
      %add3A_279 = arith.addf %add3A_252, %gather3A_278 : vector<16xf32>
      %add3A_280 = arith.constant 2 : i32
      %add3A_281 = vector.broadcast %add3A_280 : i32 to vector<16xi32>
      %add3A_282 = arith.addi %mul3A_269, %add3A_281 : vector<16xi32>
      %gather3A_283 = tpu.vector_load_idx %arg6[%add3A_282] : memref<248xf32, #tpu.memory_space<vmem>>[vector<16xi32>], vector<16xf32>,
      %add3A_284 = arith.addf %add3A_257, %gather3A_283 : vector<16xf32>
      %add3A_285 = arith.constant 3 : i32
      %add3A_286 = vector.broadcast %add3A_285 : i32 to vector<16xi32>
      %add3A_287 = arith.addi %mul3A_269, %add3A_286 : vector<16xi32>
      %gather3A_288 = tpu.vector_load_idx %arg6[%add3A_287] : memref<248xf32, #tpu.memory_space<vmem>>[vector<16xi32>], vector<16xf32>,
      %add3A_289 = arith.addf %add3A_262, %gather3A_288 : vector<16xf32>
      %get3A_290 = arith.constant 10 : i32
      %get3A_291 = arith.index_cast %get3A_290 : i32 to index
      %get3A_292 = arith.index_cast %mul3A_14 : i32 to index
      %get3A_293 = tpu.vector_load %arg5[%get3A_291, %get3A_292] {strides = array<i32>} : memref<20x512xi32, #tpu.memory_space<vmem>>, vector<16xi32>,
      %mul3A_294 = arith.constant 4 : i32
      %mul3A_295 = vector.broadcast %mul3A_294 : i32 to vector<16xi32>
      %mul3A_296 = arith.muli %get3A_293, %mul3A_295 : vector<16xi32>
      %add3A_297 = arith.constant 0 : i32
      %add3A_298 = vector.broadcast %add3A_297 : i32 to vector<16xi32>
      %add3A_299 = arith.addi %mul3A_296, %add3A_298 : vector<16xi32>
      %gather3A_300 = tpu.vector_load_idx %arg6[%add3A_299] : memref<248xf32, #tpu.memory_space<vmem>>[vector<16xi32>], vector<16xf32>,
      %add3A_301 = arith.addf %add3A_274, %gather3A_300 : vector<16xf32>
      %add3A_302 = arith.constant 1 : i32
      %add3A_303 = vector.broadcast %add3A_302 : i32 to vector<16xi32>
      %add3A_304 = arith.addi %mul3A_296, %add3A_303 : vector<16xi32>
      %gather3A_305 = tpu.vector_load_idx %arg6[%add3A_304] : memref<248xf32, #tpu.memory_space<vmem>>[vector<16xi32>], vector<16xf32>,
      %add3A_306 = arith.addf %add3A_279, %gather3A_305 : vector<16xf32>
      %add3A_307 = arith.constant 2 : i32
      %add3A_308 = vector.broadcast %add3A_307 : i32 to vector<16xi32>
      %add3A_309 = arith.addi %mul3A_296, %add3A_308 : vector<16xi32>
      %gather3A_310 = tpu.vector_load_idx %arg6[%add3A_309] : memref<248xf32, #tpu.memory_space<vmem>>[vector<16xi32>], vector<16xf32>,
      %add3A_311 = arith.addf %add3A_284, %gather3A_310 : vector<16xf32>
      %add3A_312 = arith.constant 3 : i32
      %add3A_313 = vector.broadcast %add3A_312 : i32 to vector<16xi32>
      %add3A_314 = arith.addi %mul3A_296, %add3A_313 : vector<16xi32>
      %gather3A_315 = tpu.vector_load_idx %arg6[%add3A_314] : memref<248xf32, #tpu.memory_space<vmem>>[vector<16xi32>], vector<16xf32>,
      %add3A_316 = arith.addf %add3A_289, %gather3A_315 : vector<16xf32>
      %get3A_317 = arith.constant 11 : i32
      %get3A_318 = arith.index_cast %get3A_317 : i32 to index
      %get3A_319 = arith.index_cast %mul3A_14 : i32 to index
      %get3A_320 = tpu.vector_load %arg5[%get3A_318, %get3A_319] {strides = array<i32>} : memref<20x512xi32, #tpu.memory_space<vmem>>, vector<16xi32>,
      %mul3A_321 = arith.constant 4 : i32
      %mul3A_322 = vector.broadcast %mul3A_321 : i32 to vector<16xi32>
      %mul3A_323 = arith.muli %get3A_320, %mul3A_322 : vector<16xi32>
      %add3A_324 = arith.constant 0 : i32
      %add3A_325 = vector.broadcast %add3A_324 : i32 to vector<16xi32>
      %add3A_326 = arith.addi %mul3A_323, %add3A_325 : vector<16xi32>
      %gather3A_327 = tpu.vector_load_idx %arg6[%add3A_326] : memref<248xf32, #tpu.memory_space<vmem>>[vector<16xi32>], vector<16xf32>,
      %add3A_328 = arith.addf %add3A_301, %gather3A_327 : vector<16xf32>
      %add3A_329 = arith.constant 1 : i32
      %add3A_330 = vector.broadcast %add3A_329 : i32 to vector<16xi32>
      %add3A_331 = arith.addi %mul3A_323, %add3A_330 : vector<16xi32>
      %gather3A_332 = tpu.vector_load_idx %arg6[%add3A_331] : memref<248xf32, #tpu.memory_space<vmem>>[vector<16xi32>], vector<16xf32>,
      %add3A_333 = arith.addf %add3A_306, %gather3A_332 : vector<16xf32>
      %add3A_334 = arith.constant 2 : i32
      %add3A_335 = vector.broadcast %add3A_334 : i32 to vector<16xi32>
      %add3A_336 = arith.addi %mul3A_323, %add3A_335 : vector<16xi32>
      %gather3A_337 = tpu.vector_load_idx %arg6[%add3A_336] : memref<248xf32, #tpu.memory_space<vmem>>[vector<16xi32>], vector<16xf32>,
      %add3A_338 = arith.addf %add3A_311, %gather3A_337 : vector<16xf32>
      %add3A_339 = arith.constant 3 : i32
      %add3A_340 = vector.broadcast %add3A_339 : i32 to vector<16xi32>
      %add3A_341 = arith.addi %mul3A_323, %add3A_340 : vector<16xi32>
      %gather3A_342 = tpu.vector_load_idx %arg6[%add3A_341] : memref<248xf32, #tpu.memory_space<vmem>>[vector<16xi32>], vector<16xf32>,
      %add3A_343 = arith.addf %add3A_316, %gather3A_342 : vector<16xf32>
      %get3A_344 = arith.constant 12 : i32
      %get3A_345 = arith.index_cast %get3A_344 : i32 to index
      %get3A_346 = arith.index_cast %mul3A_14 : i32 to index
      %get3A_347 = tpu.vector_load %arg5[%get3A_345, %get3A_346] {strides = array<i32>} : memref<20x512xi32, #tpu.memory_space<vmem>>, vector<16xi32>,
      %mul3A_348 = arith.constant 4 : i32
      %mul3A_349 = vector.broadcast %mul3A_348 : i32 to vector<16xi32>
      %mul3A_350 = arith.muli %get3A_347, %mul3A_349 : vector<16xi32>
      %add3A_351 = arith.constant 0 : i32
      %add3A_352 = vector.broadcast %add3A_351 : i32 to vector<16xi32>
      %add3A_353 = arith.addi %mul3A_350, %add3A_352 : vector<16xi32>
      %gather3A_354 = tpu.vector_load_idx %arg6[%add3A_353] : memref<248xf32, #tpu.memory_space<vmem>>[vector<16xi32>], vector<16xf32>,
      %add3A_355 = arith.addf %add3A_328, %gather3A_354 : vector<16xf32>
      %add3A_356 = arith.constant 1 : i32
      %add3A_357 = vector.broadcast %add3A_356 : i32 to vector<16xi32>
      %add3A_358 = arith.addi %mul3A_350, %add3A_357 : vector<16xi32>
      %gather3A_359 = tpu.vector_load_idx %arg6[%add3A_358] : memref<248xf32, #tpu.memory_space<vmem>>[vector<16xi32>], vector<16xf32>,
      %add3A_360 = arith.addf %add3A_333, %gather3A_359 : vector<16xf32>
      %add3A_361 = arith.constant 2 : i32
      %add3A_362 = vector.broadcast %add3A_361 : i32 to vector<16xi32>
      %add3A_363 = arith.addi %mul3A_350, %add3A_362 : vector<16xi32>
      %gather3A_364 = tpu.vector_load_idx %arg6[%add3A_363] : memref<248xf32, #tpu.memory_space<vmem>>[vector<16xi32>], vector<16xf32>,
      %add3A_365 = arith.addf %add3A_338, %gather3A_364 : vector<16xf32>
      %add3A_366 = arith.constant 3 : i32
      %add3A_367 = vector.broadcast %add3A_366 : i32 to vector<16xi32>
      %add3A_368 = arith.addi %mul3A_350, %add3A_367 : vector<16xi32>
      %gather3A_369 = tpu.vector_load_idx %arg6[%add3A_368] : memref<248xf32, #tpu.memory_space<vmem>>[vector<16xi32>], vector<16xf32>,
      %add3A_370 = arith.addf %add3A_343, %gather3A_369 : vector<16xf32>
      %get3A_371 = arith.constant 13 : i32
      %get3A_372 = arith.index_cast %get3A_371 : i32 to index
      %get3A_373 = arith.index_cast %mul3A_14 : i32 to index
      %get3A_374 = tpu.vector_load %arg5[%get3A_372, %get3A_373] {strides = array<i32>} : memref<20x512xi32, #tpu.memory_space<vmem>>, vector<16xi32>,
      %mul3A_375 = arith.constant 4 : i32
      %mul3A_376 = vector.broadcast %mul3A_375 : i32 to vector<16xi32>
      %mul3A_377 = arith.muli %get3A_374, %mul3A_376 : vector<16xi32>
      %add3A_378 = arith.constant 0 : i32
      %add3A_379 = vector.broadcast %add3A_378 : i32 to vector<16xi32>
      %add3A_380 = arith.addi %mul3A_377, %add3A_379 : vector<16xi32>
      %gather3A_381 = tpu.vector_load_idx %arg6[%add3A_380] : memref<248xf32, #tpu.memory_space<vmem>>[vector<16xi32>], vector<16xf32>,
      %add3A_382 = arith.addf %add3A_355, %gather3A_381 : vector<16xf32>
      %add3A_383 = arith.constant 1 : i32
      %add3A_384 = vector.broadcast %add3A_383 : i32 to vector<16xi32>
      %add3A_385 = arith.addi %mul3A_377, %add3A_384 : vector<16xi32>
      %gather3A_386 = tpu.vector_load_idx %arg6[%add3A_385] : memref<248xf32, #tpu.memory_space<vmem>>[vector<16xi32>], vector<16xf32>,
      %add3A_387 = arith.addf %add3A_360, %gather3A_386 : vector<16xf32>
      %add3A_388 = arith.constant 2 : i32
      %add3A_389 = vector.broadcast %add3A_388 : i32 to vector<16xi32>
      %add3A_390 = arith.addi %mul3A_377, %add3A_389 : vector<16xi32>
      %gather3A_391 = tpu.vector_load_idx %arg6[%add3A_390] : memref<248xf32, #tpu.memory_space<vmem>>[vector<16xi32>], vector<16xf32>,
      %add3A_392 = arith.addf %add3A_365, %gather3A_391 : vector<16xf32>
      %add3A_393 = arith.constant 3 : i32
      %add3A_394 = vector.broadcast %add3A_393 : i32 to vector<16xi32>
      %add3A_395 = arith.addi %mul3A_377, %add3A_394 : vector<16xi32>
      %gather3A_396 = tpu.vector_load_idx %arg6[%add3A_395] : memref<248xf32, #tpu.memory_space<vmem>>[vector<16xi32>], vector<16xf32>,
      %add3A_397 = arith.addf %add3A_370, %gather3A_396 : vector<16xf32>
      %get3A_398 = arith.constant 14 : i32
      %get3A_399 = arith.index_cast %get3A_398 : i32 to index
      %get3A_400 = arith.index_cast %mul3A_14 : i32 to index
      %get3A_401 = tpu.vector_load %arg5[%get3A_399, %get3A_400] {strides = array<i32>} : memref<20x512xi32, #tpu.memory_space<vmem>>, vector<16xi32>,
      %mul3A_402 = arith.constant 4 : i32
      %mul3A_403 = vector.broadcast %mul3A_402 : i32 to vector<16xi32>
      %mul3A_404 = arith.muli %get3A_401, %mul3A_403 : vector<16xi32>
      %add3A_405 = arith.constant 0 : i32
      %add3A_406 = vector.broadcast %add3A_405 : i32 to vector<16xi32>
      %add3A_407 = arith.addi %mul3A_404, %add3A_406 : vector<16xi32>
      %gather3A_408 = tpu.vector_load_idx %arg6[%add3A_407] : memref<248xf32, #tpu.memory_space<vmem>>[vector<16xi32>], vector<16xf32>,
      %add3A_409 = arith.addf %add3A_382, %gather3A_408 : vector<16xf32>
      %add3A_410 = arith.constant 1 : i32
      %add3A_411 = vector.broadcast %add3A_410 : i32 to vector<16xi32>
      %add3A_412 = arith.addi %mul3A_404, %add3A_411 : vector<16xi32>
      %gather3A_413 = tpu.vector_load_idx %arg6[%add3A_412] : memref<248xf32, #tpu.memory_space<vmem>>[vector<16xi32>], vector<16xf32>,
      %add3A_414 = arith.addf %add3A_387, %gather3A_413 : vector<16xf32>
      %add3A_415 = arith.constant 2 : i32
      %add3A_416 = vector.broadcast %add3A_415 : i32 to vector<16xi32>
      %add3A_417 = arith.addi %mul3A_404, %add3A_416 : vector<16xi32>
      %gather3A_418 = tpu.vector_load_idx %arg6[%add3A_417] : memref<248xf32, #tpu.memory_space<vmem>>[vector<16xi32>], vector<16xf32>,
      %add3A_419 = arith.addf %add3A_392, %gather3A_418 : vector<16xf32>
      %add3A_420 = arith.constant 3 : i32
      %add3A_421 = vector.broadcast %add3A_420 : i32 to vector<16xi32>
      %add3A_422 = arith.addi %mul3A_404, %add3A_421 : vector<16xi32>
      %gather3A_423 = tpu.vector_load_idx %arg6[%add3A_422] : memref<248xf32, #tpu.memory_space<vmem>>[vector<16xi32>], vector<16xf32>,
      %add3A_424 = arith.addf %add3A_397, %gather3A_423 : vector<16xf32>
      %get3A_425 = arith.constant 15 : i32
      %get3A_426 = arith.index_cast %get3A_425 : i32 to index
      %get3A_427 = arith.index_cast %mul3A_14 : i32 to index
      %get3A_428 = tpu.vector_load %arg5[%get3A_426, %get3A_427] {strides = array<i32>} : memref<20x512xi32, #tpu.memory_space<vmem>>, vector<16xi32>,
      %mul3A_429 = arith.constant 4 : i32
      %mul3A_430 = vector.broadcast %mul3A_429 : i32 to vector<16xi32>
      %mul3A_431 = arith.muli %get3A_428, %mul3A_430 : vector<16xi32>
      %add3A_432 = arith.constant 0 : i32
      %add3A_433 = vector.broadcast %add3A_432 : i32 to vector<16xi32>
      %add3A_434 = arith.addi %mul3A_431, %add3A_433 : vector<16xi32>
      %gather3A_435 = tpu.vector_load_idx %arg6[%add3A_434] : memref<248xf32, #tpu.memory_space<vmem>>[vector<16xi32>], vector<16xf32>,
      %add3A_436 = arith.addf %add3A_409, %gather3A_435 : vector<16xf32>
      %add3A_437 = arith.constant 1 : i32
      %add3A_438 = vector.broadcast %add3A_437 : i32 to vector<16xi32>
      %add3A_439 = arith.addi %mul3A_431, %add3A_438 : vector<16xi32>
      %gather3A_440 = tpu.vector_load_idx %arg6[%add3A_439] : memref<248xf32, #tpu.memory_space<vmem>>[vector<16xi32>], vector<16xf32>,
      %add3A_441 = arith.addf %add3A_414, %gather3A_440 : vector<16xf32>
      %add3A_442 = arith.constant 2 : i32
      %add3A_443 = vector.broadcast %add3A_442 : i32 to vector<16xi32>
      %add3A_444 = arith.addi %mul3A_431, %add3A_443 : vector<16xi32>
      %gather3A_445 = tpu.vector_load_idx %arg6[%add3A_444] : memref<248xf32, #tpu.memory_space<vmem>>[vector<16xi32>], vector<16xf32>,
      %add3A_446 = arith.addf %add3A_419, %gather3A_445 : vector<16xf32>
      %add3A_447 = arith.constant 3 : i32
      %add3A_448 = vector.broadcast %add3A_447 : i32 to vector<16xi32>
      %add3A_449 = arith.addi %mul3A_431, %add3A_448 : vector<16xi32>
      %gather3A_450 = tpu.vector_load_idx %arg6[%add3A_449] : memref<248xf32, #tpu.memory_space<vmem>>[vector<16xi32>], vector<16xf32>,
      %add3A_451 = arith.addf %add3A_424, %gather3A_450 : vector<16xf32>
      %get3A_452 = arith.constant 16 : i32
      %get3A_453 = arith.index_cast %get3A_452 : i32 to index
      %get3A_454 = arith.index_cast %mul3A_14 : i32 to index
      %get3A_455 = tpu.vector_load %arg5[%get3A_453, %get3A_454] {strides = array<i32>} : memref<20x512xi32, #tpu.memory_space<vmem>>, vector<16xi32>,
      %mul3A_456 = arith.constant 4 : i32
      %mul3A_457 = vector.broadcast %mul3A_456 : i32 to vector<16xi32>
      %mul3A_458 = arith.muli %get3A_455, %mul3A_457 : vector<16xi32>
      %add3A_459 = arith.constant 0 : i32
      %add3A_460 = vector.broadcast %add3A_459 : i32 to vector<16xi32>
      %add3A_461 = arith.addi %mul3A_458, %add3A_460 : vector<16xi32>
      %gather3A_462 = tpu.vector_load_idx %arg6[%add3A_461] : memref<248xf32, #tpu.memory_space<vmem>>[vector<16xi32>], vector<16xf32>,
      %add3A_463 = arith.addf %add3A_436, %gather3A_462 : vector<16xf32>
      %add3A_464 = arith.constant 1 : i32
      %add3A_465 = vector.broadcast %add3A_464 : i32 to vector<16xi32>
      %add3A_466 = arith.addi %mul3A_458, %add3A_465 : vector<16xi32>
      %gather3A_467 = tpu.vector_load_idx %arg6[%add3A_466] : memref<248xf32, #tpu.memory_space<vmem>>[vector<16xi32>], vector<16xf32>,
      %add3A_468 = arith.addf %add3A_441, %gather3A_467 : vector<16xf32>
      %add3A_469 = arith.constant 2 : i32
      %add3A_470 = vector.broadcast %add3A_469 : i32 to vector<16xi32>
      %add3A_471 = arith.addi %mul3A_458, %add3A_470 : vector<16xi32>
      %gather3A_472 = tpu.vector_load_idx %arg6[%add3A_471] : memref<248xf32, #tpu.memory_space<vmem>>[vector<16xi32>], vector<16xf32>,
      %add3A_473 = arith.addf %add3A_446, %gather3A_472 : vector<16xf32>
      %add3A_474 = arith.constant 3 : i32
      %add3A_475 = vector.broadcast %add3A_474 : i32 to vector<16xi32>
      %add3A_476 = arith.addi %mul3A_458, %add3A_475 : vector<16xi32>
      %gather3A_477 = tpu.vector_load_idx %arg6[%add3A_476] : memref<248xf32, #tpu.memory_space<vmem>>[vector<16xi32>], vector<16xf32>,
      %add3A_478 = arith.addf %add3A_451, %gather3A_477 : vector<16xf32>
      %get3A_479 = arith.constant 17 : i32
      %get3A_480 = arith.index_cast %get3A_479 : i32 to index
      %get3A_481 = arith.index_cast %mul3A_14 : i32 to index
      %get3A_482 = tpu.vector_load %arg5[%get3A_480, %get3A_481] {strides = array<i32>} : memref<20x512xi32, #tpu.memory_space<vmem>>, vector<16xi32>,
      %mul3A_483 = arith.constant 4 : i32
      %mul3A_484 = vector.broadcast %mul3A_483 : i32 to vector<16xi32>
      %mul3A_485 = arith.muli %get3A_482, %mul3A_484 : vector<16xi32>
      %add3A_486 = arith.constant 0 : i32
      %add3A_487 = vector.broadcast %add3A_486 : i32 to vector<16xi32>
      %add3A_488 = arith.addi %mul3A_485, %add3A_487 : vector<16xi32>
      %gather3A_489 = tpu.vector_load_idx %arg6[%add3A_488] : memref<248xf32, #tpu.memory_space<vmem>>[vector<16xi32>], vector<16xf32>,
      %add3A_490 = arith.addf %add3A_463, %gather3A_489 : vector<16xf32>
      %add3A_491 = arith.constant 1 : i32
      %add3A_492 = vector.broadcast %add3A_491 : i32 to vector<16xi32>
      %add3A_493 = arith.addi %mul3A_485, %add3A_492 : vector<16xi32>
      %gather3A_494 = tpu.vector_load_idx %arg6[%add3A_493] : memref<248xf32, #tpu.memory_space<vmem>>[vector<16xi32>], vector<16xf32>,
      %add3A_495 = arith.addf %add3A_468, %gather3A_494 : vector<16xf32>
      %add3A_496 = arith.constant 2 : i32
      %add3A_497 = vector.broadcast %add3A_496 : i32 to vector<16xi32>
      %add3A_498 = arith.addi %mul3A_485, %add3A_497 : vector<16xi32>
      %gather3A_499 = tpu.vector_load_idx %arg6[%add3A_498] : memref<248xf32, #tpu.memory_space<vmem>>[vector<16xi32>], vector<16xf32>,
      %add3A_500 = arith.addf %add3A_473, %gather3A_499 : vector<16xf32>
      %add3A_501 = arith.constant 3 : i32
      %add3A_502 = vector.broadcast %add3A_501 : i32 to vector<16xi32>
      %add3A_503 = arith.addi %mul3A_485, %add3A_502 : vector<16xi32>
      %gather3A_504 = tpu.vector_load_idx %arg6[%add3A_503] : memref<248xf32, #tpu.memory_space<vmem>>[vector<16xi32>], vector<16xf32>,
      %add3A_505 = arith.addf %add3A_478, %gather3A_504 : vector<16xf32>
      %get3A_506 = arith.constant 18 : i32
      %get3A_507 = arith.index_cast %get3A_506 : i32 to index
      %get3A_508 = arith.index_cast %mul3A_14 : i32 to index
      %get3A_509 = tpu.vector_load %arg5[%get3A_507, %get3A_508] {strides = array<i32>} : memref<20x512xi32, #tpu.memory_space<vmem>>, vector<16xi32>,
      %mul3A_510 = arith.constant 4 : i32
      %mul3A_511 = vector.broadcast %mul3A_510 : i32 to vector<16xi32>
      %mul3A_512 = arith.muli %get3A_509, %mul3A_511 : vector<16xi32>
      %add3A_513 = arith.constant 0 : i32
      %add3A_514 = vector.broadcast %add3A_513 : i32 to vector<16xi32>
      %add3A_515 = arith.addi %mul3A_512, %add3A_514 : vector<16xi32>
      %gather3A_516 = tpu.vector_load_idx %arg6[%add3A_515] : memref<248xf32, #tpu.memory_space<vmem>>[vector<16xi32>], vector<16xf32>,
      %add3A_517 = arith.addf %add3A_490, %gather3A_516 : vector<16xf32>
      %add3A_518 = arith.constant 1 : i32
      %add3A_519 = vector.broadcast %add3A_518 : i32 to vector<16xi32>
      %add3A_520 = arith.addi %mul3A_512, %add3A_519 : vector<16xi32>
      %gather3A_521 = tpu.vector_load_idx %arg6[%add3A_520] : memref<248xf32, #tpu.memory_space<vmem>>[vector<16xi32>], vector<16xf32>,
      %add3A_522 = arith.addf %add3A_495, %gather3A_521 : vector<16xf32>
      %add3A_523 = arith.constant 2 : i32
      %add3A_524 = vector.broadcast %add3A_523 : i32 to vector<16xi32>
      %add3A_525 = arith.addi %mul3A_512, %add3A_524 : vector<16xi32>
      %gather3A_526 = tpu.vector_load_idx %arg6[%add3A_525] : memref<248xf32, #tpu.memory_space<vmem>>[vector<16xi32>], vector<16xf32>,
      %add3A_527 = arith.addf %add3A_500, %gather3A_526 : vector<16xf32>
      %add3A_528 = arith.constant 3 : i32
      %add3A_529 = vector.broadcast %add3A_528 : i32 to vector<16xi32>
      %add3A_530 = arith.addi %mul3A_512, %add3A_529 : vector<16xi32>
      %gather3A_531 = tpu.vector_load_idx %arg6[%add3A_530] : memref<248xf32, #tpu.memory_space<vmem>>[vector<16xi32>], vector<16xf32>,
      %add3A_532 = arith.addf %add3A_505, %gather3A_531 : vector<16xf32>
      %get3A_533 = arith.constant 19 : i32
      %get3A_534 = arith.index_cast %get3A_533 : i32 to index
      %get3A_535 = arith.index_cast %mul3A_14 : i32 to index
      %get3A_536 = tpu.vector_load %arg5[%get3A_534, %get3A_535] {strides = array<i32>} : memref<20x512xi32, #tpu.memory_space<vmem>>, vector<16xi32>,
      %mul3A_537 = arith.constant 4 : i32
      %mul3A_538 = vector.broadcast %mul3A_537 : i32 to vector<16xi32>
      %mul3A_539 = arith.muli %get3A_536, %mul3A_538 : vector<16xi32>
      %add3A_540 = arith.constant 0 : i32
      %add3A_541 = vector.broadcast %add3A_540 : i32 to vector<16xi32>
      %add3A_542 = arith.addi %mul3A_539, %add3A_541 : vector<16xi32>
      %gather3A_543 = tpu.vector_load_idx %arg6[%add3A_542] : memref<248xf32, #tpu.memory_space<vmem>>[vector<16xi32>], vector<16xf32>,
      %add3A_544 = arith.addf %add3A_517, %gather3A_543 : vector<16xf32>
      %add3A_545 = arith.constant 1 : i32
      %add3A_546 = vector.broadcast %add3A_545 : i32 to vector<16xi32>
      %add3A_547 = arith.addi %mul3A_539, %add3A_546 : vector<16xi32>
      %gather3A_548 = tpu.vector_load_idx %arg6[%add3A_547] : memref<248xf32, #tpu.memory_space<vmem>>[vector<16xi32>], vector<16xf32>,
      %add3A_549 = arith.addf %add3A_522, %gather3A_548 : vector<16xf32>
      %add3A_550 = arith.constant 2 : i32
      %add3A_551 = vector.broadcast %add3A_550 : i32 to vector<16xi32>
      %add3A_552 = arith.addi %mul3A_539, %add3A_551 : vector<16xi32>
      %gather3A_553 = tpu.vector_load_idx %arg6[%add3A_552] : memref<248xf32, #tpu.memory_space<vmem>>[vector<16xi32>], vector<16xf32>,
      %add3A_554 = arith.addf %add3A_527, %gather3A_553 : vector<16xf32>
      %add3A_555 = arith.constant 3 : i32
      %add3A_556 = vector.broadcast %add3A_555 : i32 to vector<16xi32>
      %add3A_557 = arith.addi %mul3A_539, %add3A_556 : vector<16xi32>
      %gather3A_558 = tpu.vector_load_idx %arg6[%add3A_557] : memref<248xf32, #tpu.memory_space<vmem>>[vector<16xi32>], vector<16xf32>,
      %add3A_559 = arith.addf %add3A_532, %gather3A_558 : vector<16xf32>
      %swap3A = arith.constant 0 : i32
      %swap3A_560 = arith.index_cast %swap3A : i32 to index
      %swap3A_561 = arith.index_cast %mul3A_14 : i32 to index
      %swap3A_562 = tpu.vector_load %arg7[%swap3A_560, %swap3A_561] {strides = array<i32>} : memref<4x512xf32, #tpu.memory_space<vmem>>, vector<16xf32>,
      tpu.vector_store %arg7[%swap3A_560, %swap3A_561], %add3A_544 {strides = array<i32>} : memref<4x512xf32, #tpu.memory_space<vmem>>, vector<16xf32>,
      %swap3A_563 = arith.constant 1 : i32
      %swap3A_564 = arith.index_cast %swap3A_563 : i32 to index
      %swap3A_565 = arith.index_cast %mul3A_14 : i32 to index
      %swap3A_566 = tpu.vector_load %arg7[%swap3A_564, %swap3A_565] {strides = array<i32>} : memref<4x512xf32, #tpu.memory_space<vmem>>, vector<16xf32>,
      tpu.vector_store %arg7[%swap3A_564, %swap3A_565], %add3A_549 {strides = array<i32>} : memref<4x512xf32, #tpu.memory_space<vmem>>, vector<16xf32>,
      %swap3A_567 = arith.constant 2 : i32
      %swap3A_568 = arith.index_cast %swap3A_567 : i32 to index
      %swap3A_569 = arith.index_cast %mul3A_14 : i32 to index
      %swap3A_570 = tpu.vector_load %arg7[%swap3A_568, %swap3A_569] {strides = array<i32>} : memref<4x512xf32, #tpu.memory_space<vmem>>, vector<16xf32>,
      tpu.vector_store %arg7[%swap3A_568, %swap3A_569], %add3A_554 {strides = array<i32>} : memref<4x512xf32, #tpu.memory_space<vmem>>, vector<16xf32>,
      %swap3A_571 = arith.constant 3 : i32
      %swap3A_572 = arith.index_cast %swap3A_571 : i32 to index
      %swap3A_573 = arith.index_cast %mul3A_14 : i32 to index
      %swap3A_574 = tpu.vector_load %arg7[%swap3A_572, %swap3A_573] {strides = array<i32>} : memref<4x512xf32, #tpu.memory_space<vmem>>, vector<16xf32>,
      tpu.vector_store %arg7[%swap3A_572, %swap3A_573], %add3A_559 {strides = array<i32>} : memref<4x512xf32, #tpu.memory_space<vmem>>, vector<16xf32>,
      %mul3A_575 = arith.constant 2 : i32
      %mul3A_576 = arith.muli %scan3A_8, %mul3A_575 : i32
      %add3A_577 = arith.constant 1 : i32
      %add3A_578 = arith.addi %mul3A_576, %add3A_577 : i32
      %mul3A_579 = arith.constant 16 : i32
      %mul3A_580 = arith.muli %add3A_578, %mul3A_579 : i32
      %broadcast_in_dim3A_581 = arith.constant 0.000000e+00 : f32
      %broadcast_in_dim3A_582 = vector.broadcast %broadcast_in_dim3A_581 : f32 to vector<16xf32>
      %broadcast_in_dim3A_583 = arith.constant 0.000000e+00 : f32
      %broadcast_in_dim3A_584 = vector.broadcast %broadcast_in_dim3A_583 : f32 to vector<16xf32>
      %broadcast_in_dim3A_585 = arith.constant 0.000000e+00 : f32
      %broadcast_in_dim3A_586 = vector.broadcast %broadcast_in_dim3A_585 : f32 to vector<16xf32>
      %broadcast_in_dim3A_587 = arith.constant 0.000000e+00 : f32
      %broadcast_in_dim3A_588 = vector.broadcast %broadcast_in_dim3A_587 : f32 to vector<16xf32>
      %get3A_589 = arith.constant 0 : i32
      %get3A_590 = arith.index_cast %get3A_589 : i32 to index
      %get3A_591 = arith.index_cast %mul3A_580 : i32 to index
      %get3A_592 = tpu.vector_load %arg5[%get3A_590, %get3A_591] {strides = array<i32>} : memref<20x512xi32, #tpu.memory_space<vmem>>, vector<16xi32>,
      %mul3A_593 = arith.constant 4 : i32
      %mul3A_594 = vector.broadcast %mul3A_593 : i32 to vector<16xi32>
      %mul3A_595 = arith.muli %get3A_592, %mul3A_594 : vector<16xi32>
      %add3A_596 = arith.constant 0 : i32
      %add3A_597 = vector.broadcast %add3A_596 : i32 to vector<16xi32>
      %add3A_598 = arith.addi %mul3A_595, %add3A_597 : vector<16xi32>
      %gather3A_599 = tpu.vector_load_idx %arg6[%add3A_598] : memref<248xf32, #tpu.memory_space<vmem>>[vector<16xi32>], vector<16xf32>,
      %add3A_600 = arith.addf %broadcast_in_dim3A_582, %gather3A_599 : vector<16xf32>
      %add3A_601 = arith.constant 1 : i32
      %add3A_602 = vector.broadcast %add3A_601 : i32 to vector<16xi32>
      %add3A_603 = arith.addi %mul3A_595, %add3A_602 : vector<16xi32>
      %gather3A_604 = tpu.vector_load_idx %arg6[%add3A_603] : memref<248xf32, #tpu.memory_space<vmem>>[vector<16xi32>], vector<16xf32>,
      %add3A_605 = arith.addf %broadcast_in_dim3A_584, %gather3A_604 : vector<16xf32>
      %add3A_606 = arith.constant 2 : i32
      %add3A_607 = vector.broadcast %add3A_606 : i32 to vector<16xi32>
      %add3A_608 = arith.addi %mul3A_595, %add3A_607 : vector<16xi32>
      %gather3A_609 = tpu.vector_load_idx %arg6[%add3A_608] : memref<248xf32, #tpu.memory_space<vmem>>[vector<16xi32>], vector<16xf32>,
      %add3A_610 = arith.addf %broadcast_in_dim3A_586, %gather3A_609 : vector<16xf32>
      %add3A_611 = arith.constant 3 : i32
      %add3A_612 = vector.broadcast %add3A_611 : i32 to vector<16xi32>
      %add3A_613 = arith.addi %mul3A_595, %add3A_612 : vector<16xi32>
      %gather3A_614 = tpu.vector_load_idx %arg6[%add3A_613] : memref<248xf32, #tpu.memory_space<vmem>>[vector<16xi32>], vector<16xf32>,
      %add3A_615 = arith.addf %broadcast_in_dim3A_588, %gather3A_614 : vector<16xf32>
      %get3A_616 = arith.constant 1 : i32
      %get3A_617 = arith.index_cast %get3A_616 : i32 to index
      %get3A_618 = arith.index_cast %mul3A_580 : i32 to index
      %get3A_619 = tpu.vector_load %arg5[%get3A_617, %get3A_618] {strides = array<i32>} : memref<20x512xi32, #tpu.memory_space<vmem>>, vector<16xi32>,
      %mul3A_620 = arith.constant 4 : i32
      %mul3A_621 = vector.broadcast %mul3A_620 : i32 to vector<16xi32>
      %mul3A_622 = arith.muli %get3A_619, %mul3A_621 : vector<16xi32>
      %add3A_623 = arith.constant 0 : i32
      %add3A_624 = vector.broadcast %add3A_623 : i32 to vector<16xi32>
      %add3A_625 = arith.addi %mul3A_622, %add3A_624 : vector<16xi32>
      %gather3A_626 = tpu.vector_load_idx %arg6[%add3A_625] : memref<248xf32, #tpu.memory_space<vmem>>[vector<16xi32>], vector<16xf32>,
      %add3A_627 = arith.addf %add3A_600, %gather3A_626 : vector<16xf32>
      %add3A_628 = arith.constant 1 : i32
      %add3A_629 = vector.broadcast %add3A_628 : i32 to vector<16xi32>
      %add3A_630 = arith.addi %mul3A_622, %add3A_629 : vector<16xi32>
      %gather3A_631 = tpu.vector_load_idx %arg6[%add3A_630] : memref<248xf32, #tpu.memory_space<vmem>>[vector<16xi32>], vector<16xf32>,
      %add3A_632 = arith.addf %add3A_605, %gather3A_631 : vector<16xf32>
      %add3A_633 = arith.constant 2 : i32
      %add3A_634 = vector.broadcast %add3A_633 : i32 to vector<16xi32>
      %add3A_635 = arith.addi %mul3A_622, %add3A_634 : vector<16xi32>
      %gather3A_636 = tpu.vector_load_idx %arg6[%add3A_635] : memref<248xf32, #tpu.memory_space<vmem>>[vector<16xi32>], vector<16xf32>,
      %add3A_637 = arith.addf %add3A_610, %gather3A_636 : vector<16xf32>
      %add3A_638 = arith.constant 3 : i32
      %add3A_639 = vector.broadcast %add3A_638 : i32 to vector<16xi32>
      %add3A_640 = arith.addi %mul3A_622, %add3A_639 : vector<16xi32>
      %gather3A_641 = tpu.vector_load_idx %arg6[%add3A_640] : memref<248xf32, #tpu.memory_space<vmem>>[vector<16xi32>], vector<16xf32>,
      %add3A_642 = arith.addf %add3A_615, %gather3A_641 : vector<16xf32>
      %get3A_643 = arith.constant 2 : i32
      %get3A_644 = arith.index_cast %get3A_643 : i32 to index
      %get3A_645 = arith.index_cast %mul3A_580 : i32 to index
      %get3A_646 = tpu.vector_load %arg5[%get3A_644, %get3A_645] {strides = array<i32>} : memref<20x512xi32, #tpu.memory_space<vmem>>, vector<16xi32>,
      %mul3A_647 = arith.constant 4 : i32
      %mul3A_648 = vector.broadcast %mul3A_647 : i32 to vector<16xi32>
      %mul3A_649 = arith.muli %get3A_646, %mul3A_648 : vector<16xi32>
      %add3A_650 = arith.constant 0 : i32
      %add3A_651 = vector.broadcast %add3A_650 : i32 to vector<16xi32>
      %add3A_652 = arith.addi %mul3A_649, %add3A_651 : vector<16xi32>
      %gather3A_653 = tpu.vector_load_idx %arg6[%add3A_652] : memref<248xf32, #tpu.memory_space<vmem>>[vector<16xi32>], vector<16xf32>,
      %add3A_654 = arith.addf %add3A_627, %gather3A_653 : vector<16xf32>
      %add3A_655 = arith.constant 1 : i32
      %add3A_656 = vector.broadcast %add3A_655 : i32 to vector<16xi32>
      %add3A_657 = arith.addi %mul3A_649, %add3A_656 : vector<16xi32>
      %gather3A_658 = tpu.vector_load_idx %arg6[%add3A_657] : memref<248xf32, #tpu.memory_space<vmem>>[vector<16xi32>], vector<16xf32>,
      %add3A_659 = arith.addf %add3A_632, %gather3A_658 : vector<16xf32>
      %add3A_660 = arith.constant 2 : i32
      %add3A_661 = vector.broadcast %add3A_660 : i32 to vector<16xi32>
      %add3A_662 = arith.addi %mul3A_649, %add3A_661 : vector<16xi32>
      %gather3A_663 = tpu.vector_load_idx %arg6[%add3A_662] : memref<248xf32, #tpu.memory_space<vmem>>[vector<16xi32>], vector<16xf32>,
      %add3A_664 = arith.addf %add3A_637, %gather3A_663 : vector<16xf32>
      %add3A_665 = arith.constant 3 : i32
      %add3A_666 = vector.broadcast %add3A_665 : i32 to vector<16xi32>
      %add3A_667 = arith.addi %mul3A_649, %add3A_666 : vector<16xi32>
      %gather3A_668 = tpu.vector_load_idx %arg6[%add3A_667] : memref<248xf32, #tpu.memory_space<vmem>>[vector<16xi32>], vector<16xf32>,
      %add3A_669 = arith.addf %add3A_642, %gather3A_668 : vector<16xf32>
      %get3A_670 = arith.constant 3 : i32
      %get3A_671 = arith.index_cast %get3A_670 : i32 to index
      %get3A_672 = arith.index_cast %mul3A_580 : i32 to index
      %get3A_673 = tpu.vector_load %arg5[%get3A_671, %get3A_672] {strides = array<i32>} : memref<20x512xi32, #tpu.memory_space<vmem>>, vector<16xi32>,
      %mul3A_674 = arith.constant 4 : i32
      %mul3A_675 = vector.broadcast %mul3A_674 : i32 to vector<16xi32>
      %mul3A_676 = arith.muli %get3A_673, %mul3A_675 : vector<16xi32>
      %add3A_677 = arith.constant 0 : i32
      %add3A_678 = vector.broadcast %add3A_677 : i32 to vector<16xi32>
      %add3A_679 = arith.addi %mul3A_676, %add3A_678 : vector<16xi32>
      %gather3A_680 = tpu.vector_load_idx %arg6[%add3A_679] : memref<248xf32, #tpu.memory_space<vmem>>[vector<16xi32>], vector<16xf32>,
      %add3A_681 = arith.addf %add3A_654, %gather3A_680 : vector<16xf32>
      %add3A_682 = arith.constant 1 : i32
      %add3A_683 = vector.broadcast %add3A_682 : i32 to vector<16xi32>
      %add3A_684 = arith.addi %mul3A_676, %add3A_683 : vector<16xi32>
      %gather3A_685 = tpu.vector_load_idx %arg6[%add3A_684] : memref<248xf32, #tpu.memory_space<vmem>>[vector<16xi32>], vector<16xf32>,
      %add3A_686 = arith.addf %add3A_659, %gather3A_685 : vector<16xf32>
      %add3A_687 = arith.constant 2 : i32
      %add3A_688 = vector.broadcast %add3A_687 : i32 to vector<16xi32>
      %add3A_689 = arith.addi %mul3A_676, %add3A_688 : vector<16xi32>
      %gather3A_690 = tpu.vector_load_idx %arg6[%add3A_689] : memref<248xf32, #tpu.memory_space<vmem>>[vector<16xi32>], vector<16xf32>,
      %add3A_691 = arith.addf %add3A_664, %gather3A_690 : vector<16xf32>
      %add3A_692 = arith.constant 3 : i32
      %add3A_693 = vector.broadcast %add3A_692 : i32 to vector<16xi32>
      %add3A_694 = arith.addi %mul3A_676, %add3A_693 : vector<16xi32>
      %gather3A_695 = tpu.vector_load_idx %arg6[%add3A_694] : memref<248xf32, #tpu.memory_space<vmem>>[vector<16xi32>], vector<16xf32>,
      %add3A_696 = arith.addf %add3A_669, %gather3A_695 : vector<16xf32>
      %get3A_697 = arith.constant 4 : i32
      %get3A_698 = arith.index_cast %get3A_697 : i32 to index
      %get3A_699 = arith.index_cast %mul3A_580 : i32 to index
      %get3A_700 = tpu.vector_load %arg5[%get3A_698, %get3A_699] {strides = array<i32>} : memref<20x512xi32, #tpu.memory_space<vmem>>, vector<16xi32>,
      %mul3A_701 = arith.constant 4 : i32
      %mul3A_702 = vector.broadcast %mul3A_701 : i32 to vector<16xi32>
      %mul3A_703 = arith.muli %get3A_700, %mul3A_702 : vector<16xi32>
      %add3A_704 = arith.constant 0 : i32
      %add3A_705 = vector.broadcast %add3A_704 : i32 to vector<16xi32>
      %add3A_706 = arith.addi %mul3A_703, %add3A_705 : vector<16xi32>
      %gather3A_707 = tpu.vector_load_idx %arg6[%add3A_706] : memref<248xf32, #tpu.memory_space<vmem>>[vector<16xi32>], vector<16xf32>,
      %add3A_708 = arith.addf %add3A_681, %gather3A_707 : vector<16xf32>
      %add3A_709 = arith.constant 1 : i32
      %add3A_710 = vector.broadcast %add3A_709 : i32 to vector<16xi32>
      %add3A_711 = arith.addi %mul3A_703, %add3A_710 : vector<16xi32>
      %gather3A_712 = tpu.vector_load_idx %arg6[%add3A_711] : memref<248xf32, #tpu.memory_space<vmem>>[vector<16xi32>], vector<16xf32>,
      %add3A_713 = arith.addf %add3A_686, %gather3A_712 : vector<16xf32>
      %add3A_714 = arith.constant 2 : i32
      %add3A_715 = vector.broadcast %add3A_714 : i32 to vector<16xi32>
      %add3A_716 = arith.addi %mul3A_703, %add3A_715 : vector<16xi32>
      %gather3A_717 = tpu.vector_load_idx %arg6[%add3A_716] : memref<248xf32, #tpu.memory_space<vmem>>[vector<16xi32>], vector<16xf32>,
      %add3A_718 = arith.addf %add3A_691, %gather3A_717 : vector<16xf32>
      %add3A_719 = arith.constant 3 : i32
      %add3A_720 = vector.broadcast %add3A_719 : i32 to vector<16xi32>
      %add3A_721 = arith.addi %mul3A_703, %add3A_720 : vector<16xi32>
      %gather3A_722 = tpu.vector_load_idx %arg6[%add3A_721] : memref<248xf32, #tpu.memory_space<vmem>>[vector<16xi32>], vector<16xf32>,
      %add3A_723 = arith.addf %add3A_696, %gather3A_722 : vector<16xf32>
      %get3A_724 = arith.constant 5 : i32
      %get3A_725 = arith.index_cast %get3A_724 : i32 to index
      %get3A_726 = arith.index_cast %mul3A_580 : i32 to index
      %get3A_727 = tpu.vector_load %arg5[%get3A_725, %get3A_726] {strides = array<i32>} : memref<20x512xi32, #tpu.memory_space<vmem>>, vector<16xi32>,
      %mul3A_728 = arith.constant 4 : i32
      %mul3A_729 = vector.broadcast %mul3A_728 : i32 to vector<16xi32>
      %mul3A_730 = arith.muli %get3A_727, %mul3A_729 : vector<16xi32>
      %add3A_731 = arith.constant 0 : i32
      %add3A_732 = vector.broadcast %add3A_731 : i32 to vector<16xi32>
      %add3A_733 = arith.addi %mul3A_730, %add3A_732 : vector<16xi32>
      %gather3A_734 = tpu.vector_load_idx %arg6[%add3A_733] : memref<248xf32, #tpu.memory_space<vmem>>[vector<16xi32>], vector<16xf32>,
      %add3A_735 = arith.addf %add3A_708, %gather3A_734 : vector<16xf32>
      %add3A_736 = arith.constant 1 : i32
      %add3A_737 = vector.broadcast %add3A_736 : i32 to vector<16xi32>
      %add3A_738 = arith.addi %mul3A_730, %add3A_737 : vector<16xi32>
      %gather3A_739 = tpu.vector_load_idx %arg6[%add3A_738] : memref<248xf32, #tpu.memory_space<vmem>>[vector<16xi32>], vector<16xf32>,
      %add3A_740 = arith.addf %add3A_713, %gather3A_739 : vector<16xf32>
      %add3A_741 = arith.constant 2 : i32
      %add3A_742 = vector.broadcast %add3A_741 : i32 to vector<16xi32>
      %add3A_743 = arith.addi %mul3A_730, %add3A_742 : vector<16xi32>
      %gather3A_744 = tpu.vector_load_idx %arg6[%add3A_743] : memref<248xf32, #tpu.memory_space<vmem>>[vector<16xi32>], vector<16xf32>,
      %add3A_745 = arith.addf %add3A_718, %gather3A_744 : vector<16xf32>
      %add3A_746 = arith.constant 3 : i32
      %add3A_747 = vector.broadcast %add3A_746 : i32 to vector<16xi32>
      %add3A_748 = arith.addi %mul3A_730, %add3A_747 : vector<16xi32>
      %gather3A_749 = tpu.vector_load_idx %arg6[%add3A_748] : memref<248xf32, #tpu.memory_space<vmem>>[vector<16xi32>], vector<16xf32>,
      %add3A_750 = arith.addf %add3A_723, %gather3A_749 : vector<16xf32>
      %get3A_751 = arith.constant 6 : i32
      %get3A_752 = arith.index_cast %get3A_751 : i32 to index
      %get3A_753 = arith.index_cast %mul3A_580 : i32 to index
      %get3A_754 = tpu.vector_load %arg5[%get3A_752, %get3A_753] {strides = array<i32>} : memref<20x512xi32, #tpu.memory_space<vmem>>, vector<16xi32>,
      %mul3A_755 = arith.constant 4 : i32
      %mul3A_756 = vector.broadcast %mul3A_755 : i32 to vector<16xi32>
      %mul3A_757 = arith.muli %get3A_754, %mul3A_756 : vector<16xi32>
      %add3A_758 = arith.constant 0 : i32
      %add3A_759 = vector.broadcast %add3A_758 : i32 to vector<16xi32>
      %add3A_760 = arith.addi %mul3A_757, %add3A_759 : vector<16xi32>
      %gather3A_761 = tpu.vector_load_idx %arg6[%add3A_760] : memref<248xf32, #tpu.memory_space<vmem>>[vector<16xi32>], vector<16xf32>,
      %add3A_762 = arith.addf %add3A_735, %gather3A_761 : vector<16xf32>
      %add3A_763 = arith.constant 1 : i32
      %add3A_764 = vector.broadcast %add3A_763 : i32 to vector<16xi32>
      %add3A_765 = arith.addi %mul3A_757, %add3A_764 : vector<16xi32>
      %gather3A_766 = tpu.vector_load_idx %arg6[%add3A_765] : memref<248xf32, #tpu.memory_space<vmem>>[vector<16xi32>], vector<16xf32>,
      %add3A_767 = arith.addf %add3A_740, %gather3A_766 : vector<16xf32>
      %add3A_768 = arith.constant 2 : i32
      %add3A_769 = vector.broadcast %add3A_768 : i32 to vector<16xi32>
      %add3A_770 = arith.addi %mul3A_757, %add3A_769 : vector<16xi32>
      %gather3A_771 = tpu.vector_load_idx %arg6[%add3A_770] : memref<248xf32, #tpu.memory_space<vmem>>[vector<16xi32>], vector<16xf32>,
      %add3A_772 = arith.addf %add3A_745, %gather3A_771 : vector<16xf32>
      %add3A_773 = arith.constant 3 : i32
      %add3A_774 = vector.broadcast %add3A_773 : i32 to vector<16xi32>
      %add3A_775 = arith.addi %mul3A_757, %add3A_774 : vector<16xi32>
      %gather3A_776 = tpu.vector_load_idx %arg6[%add3A_775] : memref<248xf32, #tpu.memory_space<vmem>>[vector<16xi32>], vector<16xf32>,
      %add3A_777 = arith.addf %add3A_750, %gather3A_776 : vector<16xf32>
      %get3A_778 = arith.constant 7 : i32
      %get3A_779 = arith.index_cast %get3A_778 : i32 to index
      %get3A_780 = arith.index_cast %mul3A_580 : i32 to index
      %get3A_781 = tpu.vector_load %arg5[%get3A_779, %get3A_780] {strides = array<i32>} : memref<20x512xi32, #tpu.memory_space<vmem>>, vector<16xi32>,
      %mul3A_782 = arith.constant 4 : i32
      %mul3A_783 = vector.broadcast %mul3A_782 : i32 to vector<16xi32>
      %mul3A_784 = arith.muli %get3A_781, %mul3A_783 : vector<16xi32>
      %add3A_785 = arith.constant 0 : i32
      %add3A_786 = vector.broadcast %add3A_785 : i32 to vector<16xi32>
      %add3A_787 = arith.addi %mul3A_784, %add3A_786 : vector<16xi32>
      %gather3A_788 = tpu.vector_load_idx %arg6[%add3A_787] : memref<248xf32, #tpu.memory_space<vmem>>[vector<16xi32>], vector<16xf32>,
      %add3A_789 = arith.addf %add3A_762, %gather3A_788 : vector<16xf32>
      %add3A_790 = arith.constant 1 : i32
      %add3A_791 = vector.broadcast %add3A_790 : i32 to vector<16xi32>
      %add3A_792 = arith.addi %mul3A_784, %add3A_791 : vector<16xi32>
      %gather3A_793 = tpu.vector_load_idx %arg6[%add3A_792] : memref<248xf32, #tpu.memory_space<vmem>>[vector<16xi32>], vector<16xf32>,
      %add3A_794 = arith.addf %add3A_767, %gather3A_793 : vector<16xf32>
      %add3A_795 = arith.constant 2 : i32
      %add3A_796 = vector.broadcast %add3A_795 : i32 to vector<16xi32>
      %add3A_797 = arith.addi %mul3A_784, %add3A_796 : vector<16xi32>
      %gather3A_798 = tpu.vector_load_idx %arg6[%add3A_797] : memref<248xf32, #tpu.memory_space<vmem>>[vector<16xi32>], vector<16xf32>,
      %add3A_799 = arith.addf %add3A_772, %gather3A_798 : vector<16xf32>
      %add3A_800 = arith.constant 3 : i32
      %add3A_801 = vector.broadcast %add3A_800 : i32 to vector<16xi32>
      %add3A_802 = arith.addi %mul3A_784, %add3A_801 : vector<16xi32>
      %gather3A_803 = tpu.vector_load_idx %arg6[%add3A_802] : memref<248xf32, #tpu.memory_space<vmem>>[vector<16xi32>], vector<16xf32>,
      %add3A_804 = arith.addf %add3A_777, %gather3A_803 : vector<16xf32>
      %get3A_805 = arith.constant 8 : i32
      %get3A_806 = arith.index_cast %get3A_805 : i32 to index
      %get3A_807 = arith.index_cast %mul3A_580 : i32 to index
      %get3A_808 = tpu.vector_load %arg5[%get3A_806, %get3A_807] {strides = array<i32>} : memref<20x512xi32, #tpu.memory_space<vmem>>, vector<16xi32>,
      %mul3A_809 = arith.constant 4 : i32
      %mul3A_810 = vector.broadcast %mul3A_809 : i32 to vector<16xi32>
      %mul3A_811 = arith.muli %get3A_808, %mul3A_810 : vector<16xi32>
      %add3A_812 = arith.constant 0 : i32
      %add3A_813 = vector.broadcast %add3A_812 : i32 to vector<16xi32>
      %add3A_814 = arith.addi %mul3A_811, %add3A_813 : vector<16xi32>
      %gather3A_815 = tpu.vector_load_idx %arg6[%add3A_814] : memref<248xf32, #tpu.memory_space<vmem>>[vector<16xi32>], vector<16xf32>,
      %add3A_816 = arith.addf %add3A_789, %gather3A_815 : vector<16xf32>
      %add3A_817 = arith.constant 1 : i32
      %add3A_818 = vector.broadcast %add3A_817 : i32 to vector<16xi32>
      %add3A_819 = arith.addi %mul3A_811, %add3A_818 : vector<16xi32>
      %gather3A_820 = tpu.vector_load_idx %arg6[%add3A_819] : memref<248xf32, #tpu.memory_space<vmem>>[vector<16xi32>], vector<16xf32>,
      %add3A_821 = arith.addf %add3A_794, %gather3A_820 : vector<16xf32>
      %add3A_822 = arith.constant 2 : i32
      %add3A_823 = vector.broadcast %add3A_822 : i32 to vector<16xi32>
      %add3A_824 = arith.addi %mul3A_811, %add3A_823 : vector<16xi32>
      %gather3A_825 = tpu.vector_load_idx %arg6[%add3A_824] : memref<248xf32, #tpu.memory_space<vmem>>[vector<16xi32>], vector<16xf32>,
      %add3A_826 = arith.addf %add3A_799, %gather3A_825 : vector<16xf32>
      %add3A_827 = arith.constant 3 : i32
      %add3A_828 = vector.broadcast %add3A_827 : i32 to vector<16xi32>
      %add3A_829 = arith.addi %mul3A_811, %add3A_828 : vector<16xi32>
      %gather3A_830 = tpu.vector_load_idx %arg6[%add3A_829] : memref<248xf32, #tpu.memory_space<vmem>>[vector<16xi32>], vector<16xf32>,
      %add3A_831 = arith.addf %add3A_804, %gather3A_830 : vector<16xf32>
      %get3A_832 = arith.constant 9 : i32
      %get3A_833 = arith.index_cast %get3A_832 : i32 to index
      %get3A_834 = arith.index_cast %mul3A_580 : i32 to index
      %get3A_835 = tpu.vector_load %arg5[%get3A_833, %get3A_834] {strides = array<i32>} : memref<20x512xi32, #tpu.memory_space<vmem>>, vector<16xi32>,
      %mul3A_836 = arith.constant 4 : i32
      %mul3A_837 = vector.broadcast %mul3A_836 : i32 to vector<16xi32>
      %mul3A_838 = arith.muli %get3A_835, %mul3A_837 : vector<16xi32>
      %add3A_839 = arith.constant 0 : i32
      %add3A_840 = vector.broadcast %add3A_839 : i32 to vector<16xi32>
      %add3A_841 = arith.addi %mul3A_838, %add3A_840 : vector<16xi32>
      %gather3A_842 = tpu.vector_load_idx %arg6[%add3A_841] : memref<248xf32, #tpu.memory_space<vmem>>[vector<16xi32>], vector<16xf32>,
      %add3A_843 = arith.addf %add3A_816, %gather3A_842 : vector<16xf32>
      %add3A_844 = arith.constant 1 : i32
      %add3A_845 = vector.broadcast %add3A_844 : i32 to vector<16xi32>
      %add3A_846 = arith.addi %mul3A_838, %add3A_845 : vector<16xi32>
      %gather3A_847 = tpu.vector_load_idx %arg6[%add3A_846] : memref<248xf32, #tpu.memory_space<vmem>>[vector<16xi32>], vector<16xf32>,
      %add3A_848 = arith.addf %add3A_821, %gather3A_847 : vector<16xf32>
      %add3A_849 = arith.constant 2 : i32
      %add3A_850 = vector.broadcast %add3A_849 : i32 to vector<16xi32>
      %add3A_851 = arith.addi %mul3A_838, %add3A_850 : vector<16xi32>
      %gather3A_852 = tpu.vector_load_idx %arg6[%add3A_851] : memref<248xf32, #tpu.memory_space<vmem>>[vector<16xi32>], vector<16xf32>,
      %add3A_853 = arith.addf %add3A_826, %gather3A_852 : vector<16xf32>
      %add3A_854 = arith.constant 3 : i32
      %add3A_855 = vector.broadcast %add3A_854 : i32 to vector<16xi32>
      %add3A_856 = arith.addi %mul3A_838, %add3A_855 : vector<16xi32>
      %gather3A_857 = tpu.vector_load_idx %arg6[%add3A_856] : memref<248xf32, #tpu.memory_space<vmem>>[vector<16xi32>], vector<16xf32>,
      %add3A_858 = arith.addf %add3A_831, %gather3A_857 : vector<16xf32>
      %get3A_859 = arith.constant 10 : i32
      %get3A_860 = arith.index_cast %get3A_859 : i32 to index
      %get3A_861 = arith.index_cast %mul3A_580 : i32 to index
      %get3A_862 = tpu.vector_load %arg5[%get3A_860, %get3A_861] {strides = array<i32>} : memref<20x512xi32, #tpu.memory_space<vmem>>, vector<16xi32>,
      %mul3A_863 = arith.constant 4 : i32
      %mul3A_864 = vector.broadcast %mul3A_863 : i32 to vector<16xi32>
      %mul3A_865 = arith.muli %get3A_862, %mul3A_864 : vector<16xi32>
      %add3A_866 = arith.constant 0 : i32
      %add3A_867 = vector.broadcast %add3A_866 : i32 to vector<16xi32>
      %add3A_868 = arith.addi %mul3A_865, %add3A_867 : vector<16xi32>
      %gather3A_869 = tpu.vector_load_idx %arg6[%add3A_868] : memref<248xf32, #tpu.memory_space<vmem>>[vector<16xi32>], vector<16xf32>,
      %add3A_870 = arith.addf %add3A_843, %gather3A_869 : vector<16xf32>
      %add3A_871 = arith.constant 1 : i32
      %add3A_872 = vector.broadcast %add3A_871 : i32 to vector<16xi32>
      %add3A_873 = arith.addi %mul3A_865, %add3A_872 : vector<16xi32>
      %gather3A_874 = tpu.vector_load_idx %arg6[%add3A_873] : memref<248xf32, #tpu.memory_space<vmem>>[vector<16xi32>], vector<16xf32>,
      %add3A_875 = arith.addf %add3A_848, %gather3A_874 : vector<16xf32>
      %add3A_876 = arith.constant 2 : i32
      %add3A_877 = vector.broadcast %add3A_876 : i32 to vector<16xi32>
      %add3A_878 = arith.addi %mul3A_865, %add3A_877 : vector<16xi32>
      %gather3A_879 = tpu.vector_load_idx %arg6[%add3A_878] : memref<248xf32, #tpu.memory_space<vmem>>[vector<16xi32>], vector<16xf32>,
      %add3A_880 = arith.addf %add3A_853, %gather3A_879 : vector<16xf32>
      %add3A_881 = arith.constant 3 : i32
      %add3A_882 = vector.broadcast %add3A_881 : i32 to vector<16xi32>
      %add3A_883 = arith.addi %mul3A_865, %add3A_882 : vector<16xi32>
      %gather3A_884 = tpu.vector_load_idx %arg6[%add3A_883] : memref<248xf32, #tpu.memory_space<vmem>>[vector<16xi32>], vector<16xf32>,
      %add3A_885 = arith.addf %add3A_858, %gather3A_884 : vector<16xf32>
      %get3A_886 = arith.constant 11 : i32
      %get3A_887 = arith.index_cast %get3A_886 : i32 to index
      %get3A_888 = arith.index_cast %mul3A_580 : i32 to index
      %get3A_889 = tpu.vector_load %arg5[%get3A_887, %get3A_888] {strides = array<i32>} : memref<20x512xi32, #tpu.memory_space<vmem>>, vector<16xi32>,
      %mul3A_890 = arith.constant 4 : i32
      %mul3A_891 = vector.broadcast %mul3A_890 : i32 to vector<16xi32>
      %mul3A_892 = arith.muli %get3A_889, %mul3A_891 : vector<16xi32>
      %add3A_893 = arith.constant 0 : i32
      %add3A_894 = vector.broadcast %add3A_893 : i32 to vector<16xi32>
      %add3A_895 = arith.addi %mul3A_892, %add3A_894 : vector<16xi32>
      %gather3A_896 = tpu.vector_load_idx %arg6[%add3A_895] : memref<248xf32, #tpu.memory_space<vmem>>[vector<16xi32>], vector<16xf32>,
      %add3A_897 = arith.addf %add3A_870, %gather3A_896 : vector<16xf32>
      %add3A_898 = arith.constant 1 : i32
      %add3A_899 = vector.broadcast %add3A_898 : i32 to vector<16xi32>
      %add3A_900 = arith.addi %mul3A_892, %add3A_899 : vector<16xi32>
      %gather3A_901 = tpu.vector_load_idx %arg6[%add3A_900] : memref<248xf32, #tpu.memory_space<vmem>>[vector<16xi32>], vector<16xf32>,
      %add3A_902 = arith.addf %add3A_875, %gather3A_901 : vector<16xf32>
      %add3A_903 = arith.constant 2 : i32
      %add3A_904 = vector.broadcast %add3A_903 : i32 to vector<16xi32>
      %add3A_905 = arith.addi %mul3A_892, %add3A_904 : vector<16xi32>
      %gather3A_906 = tpu.vector_load_idx %arg6[%add3A_905] : memref<248xf32, #tpu.memory_space<vmem>>[vector<16xi32>], vector<16xf32>,
      %add3A_907 = arith.addf %add3A_880, %gather3A_906 : vector<16xf32>
      %add3A_908 = arith.constant 3 : i32
      %add3A_909 = vector.broadcast %add3A_908 : i32 to vector<16xi32>
      %add3A_910 = arith.addi %mul3A_892, %add3A_909 : vector<16xi32>
      %gather3A_911 = tpu.vector_load_idx %arg6[%add3A_910] : memref<248xf32, #tpu.memory_space<vmem>>[vector<16xi32>], vector<16xf32>,
      %add3A_912 = arith.addf %add3A_885, %gather3A_911 : vector<16xf32>
      %get3A_913 = arith.constant 12 : i32
      %get3A_914 = arith.index_cast %get3A_913 : i32 to index
      %get3A_915 = arith.index_cast %mul3A_580 : i32 to index
      %get3A_916 = tpu.vector_load %arg5[%get3A_914, %get3A_915] {strides = array<i32>} : memref<20x512xi32, #tpu.memory_space<vmem>>, vector<16xi32>,
      %mul3A_917 = arith.constant 4 : i32
      %mul3A_918 = vector.broadcast %mul3A_917 : i32 to vector<16xi32>
      %mul3A_919 = arith.muli %get3A_916, %mul3A_918 : vector<16xi32>
      %add3A_920 = arith.constant 0 : i32
      %add3A_921 = vector.broadcast %add3A_920 : i32 to vector<16xi32>
      %add3A_922 = arith.addi %mul3A_919, %add3A_921 : vector<16xi32>
      %gather3A_923 = tpu.vector_load_idx %arg6[%add3A_922] : memref<248xf32, #tpu.memory_space<vmem>>[vector<16xi32>], vector<16xf32>,
      %add3A_924 = arith.addf %add3A_897, %gather3A_923 : vector<16xf32>
      %add3A_925 = arith.constant 1 : i32
      %add3A_926 = vector.broadcast %add3A_925 : i32 to vector<16xi32>
      %add3A_927 = arith.addi %mul3A_919, %add3A_926 : vector<16xi32>
      %gather3A_928 = tpu.vector_load_idx %arg6[%add3A_927] : memref<248xf32, #tpu.memory_space<vmem>>[vector<16xi32>], vector<16xf32>,
      %add3A_929 = arith.addf %add3A_902, %gather3A_928 : vector<16xf32>
      %add3A_930 = arith.constant 2 : i32
      %add3A_931 = vector.broadcast %add3A_930 : i32 to vector<16xi32>
      %add3A_932 = arith.addi %mul3A_919, %add3A_931 : vector<16xi32>
      %gather3A_933 = tpu.vector_load_idx %arg6[%add3A_932] : memref<248xf32, #tpu.memory_space<vmem>>[vector<16xi32>], vector<16xf32>,
      %add3A_934 = arith.addf %add3A_907, %gather3A_933 : vector<16xf32>
      %add3A_935 = arith.constant 3 : i32
      %add3A_936 = vector.broadcast %add3A_935 : i32 to vector<16xi32>
      %add3A_937 = arith.addi %mul3A_919, %add3A_936 : vector<16xi32>
      %gather3A_938 = tpu.vector_load_idx %arg6[%add3A_937] : memref<248xf32, #tpu.memory_space<vmem>>[vector<16xi32>], vector<16xf32>,
      %add3A_939 = arith.addf %add3A_912, %gather3A_938 : vector<16xf32>
      %get3A_940 = arith.constant 13 : i32
      %get3A_941 = arith.index_cast %get3A_940 : i32 to index
      %get3A_942 = arith.index_cast %mul3A_580 : i32 to index
      %get3A_943 = tpu.vector_load %arg5[%get3A_941, %get3A_942] {strides = array<i32>} : memref<20x512xi32, #tpu.memory_space<vmem>>, vector<16xi32>,
      %mul3A_944 = arith.constant 4 : i32
      %mul3A_945 = vector.broadcast %mul3A_944 : i32 to vector<16xi32>
      %mul3A_946 = arith.muli %get3A_943, %mul3A_945 : vector<16xi32>
      %add3A_947 = arith.constant 0 : i32
      %add3A_948 = vector.broadcast %add3A_947 : i32 to vector<16xi32>
      %add3A_949 = arith.addi %mul3A_946, %add3A_948 : vector<16xi32>
      %gather3A_950 = tpu.vector_load_idx %arg6[%add3A_949] : memref<248xf32, #tpu.memory_space<vmem>>[vector<16xi32>], vector<16xf32>,
      %add3A_951 = arith.addf %add3A_924, %gather3A_950 : vector<16xf32>
      %add3A_952 = arith.constant 1 : i32
      %add3A_953 = vector.broadcast %add3A_952 : i32 to vector<16xi32>
      %add3A_954 = arith.addi %mul3A_946, %add3A_953 : vector<16xi32>
      %gather3A_955 = tpu.vector_load_idx %arg6[%add3A_954] : memref<248xf32, #tpu.memory_space<vmem>>[vector<16xi32>], vector<16xf32>,
      %add3A_956 = arith.addf %add3A_929, %gather3A_955 : vector<16xf32>
      %add3A_957 = arith.constant 2 : i32
      %add3A_958 = vector.broadcast %add3A_957 : i32 to vector<16xi32>
      %add3A_959 = arith.addi %mul3A_946, %add3A_958 : vector<16xi32>
      %gather3A_960 = tpu.vector_load_idx %arg6[%add3A_959] : memref<248xf32, #tpu.memory_space<vmem>>[vector<16xi32>], vector<16xf32>,
      %add3A_961 = arith.addf %add3A_934, %gather3A_960 : vector<16xf32>
      %add3A_962 = arith.constant 3 : i32
      %add3A_963 = vector.broadcast %add3A_962 : i32 to vector<16xi32>
      %add3A_964 = arith.addi %mul3A_946, %add3A_963 : vector<16xi32>
      %gather3A_965 = tpu.vector_load_idx %arg6[%add3A_964] : memref<248xf32, #tpu.memory_space<vmem>>[vector<16xi32>], vector<16xf32>,
      %add3A_966 = arith.addf %add3A_939, %gather3A_965 : vector<16xf32>
      %get3A_967 = arith.constant 14 : i32
      %get3A_968 = arith.index_cast %get3A_967 : i32 to index
      %get3A_969 = arith.index_cast %mul3A_580 : i32 to index
      %get3A_970 = tpu.vector_load %arg5[%get3A_968, %get3A_969] {strides = array<i32>} : memref<20x512xi32, #tpu.memory_space<vmem>>, vector<16xi32>,
      %mul3A_971 = arith.constant 4 : i32
      %mul3A_972 = vector.broadcast %mul3A_971 : i32 to vector<16xi32>
      %mul3A_973 = arith.muli %get3A_970, %mul3A_972 : vector<16xi32>
      %add3A_974 = arith.constant 0 : i32
      %add3A_975 = vector.broadcast %add3A_974 : i32 to vector<16xi32>
      %add3A_976 = arith.addi %mul3A_973, %add3A_975 : vector<16xi32>
      %gather3A_977 = tpu.vector_load_idx %arg6[%add3A_976] : memref<248xf32, #tpu.memory_space<vmem>>[vector<16xi32>], vector<16xf32>,
      %add3A_978 = arith.addf %add3A_951, %gather3A_977 : vector<16xf32>
      %add3A_979 = arith.constant 1 : i32
      %add3A_980 = vector.broadcast %add3A_979 : i32 to vector<16xi32>
      %add3A_981 = arith.addi %mul3A_973, %add3A_980 : vector<16xi32>
      %gather3A_982 = tpu.vector_load_idx %arg6[%add3A_981] : memref<248xf32, #tpu.memory_space<vmem>>[vector<16xi32>], vector<16xf32>,
      %add3A_983 = arith.addf %add3A_956, %gather3A_982 : vector<16xf32>
      %add3A_984 = arith.constant 2 : i32
      %add3A_985 = vector.broadcast %add3A_984 : i32 to vector<16xi32>
      %add3A_986 = arith.addi %mul3A_973, %add3A_985 : vector<16xi32>
      %gather3A_987 = tpu.vector_load_idx %arg6[%add3A_986] : memref<248xf32, #tpu.memory_space<vmem>>[vector<16xi32>], vector<16xf32>,
      %add3A_988 = arith.addf %add3A_961, %gather3A_987 : vector<16xf32>
      %add3A_989 = arith.constant 3 : i32
      %add3A_990 = vector.broadcast %add3A_989 : i32 to vector<16xi32>
      %add3A_991 = arith.addi %mul3A_973, %add3A_990 : vector<16xi32>
      %gather3A_992 = tpu.vector_load_idx %arg6[%add3A_991] : memref<248xf32, #tpu.memory_space<vmem>>[vector<16xi32>], vector<16xf32>,
      %add3A_993 = arith.addf %add3A_966, %gather3A_992 : vector<16xf32>
      %get3A_994 = arith.constant 15 : i32
      %get3A_995 = arith.index_cast %get3A_994 : i32 to index
      %get3A_996 = arith.index_cast %mul3A_580 : i32 to index
      %get3A_997 = tpu.vector_load %arg5[%get3A_995, %get3A_996] {strides = array<i32>} : memref<20x512xi32, #tpu.memory_space<vmem>>, vector<16xi32>,
      %mul3A_998 = arith.constant 4 : i32
      %mul3A_999 = vector.broadcast %mul3A_998 : i32 to vector<16xi32>
      %mul3A_1000 = arith.muli %get3A_997, %mul3A_999 : vector<16xi32>
      %add3A_1001 = arith.constant 0 : i32
      %add3A_1002 = vector.broadcast %add3A_1001 : i32 to vector<16xi32>
      %add3A_1003 = arith.addi %mul3A_1000, %add3A_1002 : vector<16xi32>
      %gather3A_1004 = tpu.vector_load_idx %arg6[%add3A_1003] : memref<248xf32, #tpu.memory_space<vmem>>[vector<16xi32>], vector<16xf32>,
      %add3A_1005 = arith.addf %add3A_978, %gather3A_1004 : vector<16xf32>
      %add3A_1006 = arith.constant 1 : i32
      %add3A_1007 = vector.broadcast %add3A_1006 : i32 to vector<16xi32>
      %add3A_1008 = arith.addi %mul3A_1000, %add3A_1007 : vector<16xi32>
      %gather3A_1009 = tpu.vector_load_idx %arg6[%add3A_1008] : memref<248xf32, #tpu.memory_space<vmem>>[vector<16xi32>], vector<16xf32>,
      %add3A_1010 = arith.addf %add3A_983, %gather3A_1009 : vector<16xf32>
      %add3A_1011 = arith.constant 2 : i32
      %add3A_1012 = vector.broadcast %add3A_1011 : i32 to vector<16xi32>
      %add3A_1013 = arith.addi %mul3A_1000, %add3A_1012 : vector<16xi32>
      %gather3A_1014 = tpu.vector_load_idx %arg6[%add3A_1013] : memref<248xf32, #tpu.memory_space<vmem>>[vector<16xi32>], vector<16xf32>,
      %add3A_1015 = arith.addf %add3A_988, %gather3A_1014 : vector<16xf32>
      %add3A_1016 = arith.constant 3 : i32
      %add3A_1017 = vector.broadcast %add3A_1016 : i32 to vector<16xi32>
      %add3A_1018 = arith.addi %mul3A_1000, %add3A_1017 : vector<16xi32>
      %gather3A_1019 = tpu.vector_load_idx %arg6[%add3A_1018] : memref<248xf32, #tpu.memory_space<vmem>>[vector<16xi32>], vector<16xf32>,
      %add3A_1020 = arith.addf %add3A_993, %gather3A_1019 : vector<16xf32>
      %get3A_1021 = arith.constant 16 : i32
      %get3A_1022 = arith.index_cast %get3A_1021 : i32 to index
      %get3A_1023 = arith.index_cast %mul3A_580 : i32 to index
      %get3A_1024 = tpu.vector_load %arg5[%get3A_1022, %get3A_1023] {strides = array<i32>} : memref<20x512xi32, #tpu.memory_space<vmem>>, vector<16xi32>,
      %mul3A_1025 = arith.constant 4 : i32
      %mul3A_1026 = vector.broadcast %mul3A_1025 : i32 to vector<16xi32>
      %mul3A_1027 = arith.muli %get3A_1024, %mul3A_1026 : vector<16xi32>
      %add3A_1028 = arith.constant 0 : i32
      %add3A_1029 = vector.broadcast %add3A_1028 : i32 to vector<16xi32>
      %add3A_1030 = arith.addi %mul3A_1027, %add3A_1029 : vector<16xi32>
      %gather3A_1031 = tpu.vector_load_idx %arg6[%add3A_1030] : memref<248xf32, #tpu.memory_space<vmem>>[vector<16xi32>], vector<16xf32>,
      %add3A_1032 = arith.addf %add3A_1005, %gather3A_1031 : vector<16xf32>
      %add3A_1033 = arith.constant 1 : i32
      %add3A_1034 = vector.broadcast %add3A_1033 : i32 to vector<16xi32>
      %add3A_1035 = arith.addi %mul3A_1027, %add3A_1034 : vector<16xi32>
      %gather3A_1036 = tpu.vector_load_idx %arg6[%add3A_1035] : memref<248xf32, #tpu.memory_space<vmem>>[vector<16xi32>], vector<16xf32>,
      %add3A_1037 = arith.addf %add3A_1010, %gather3A_1036 : vector<16xf32>
      %add3A_1038 = arith.constant 2 : i32
      %add3A_1039 = vector.broadcast %add3A_1038 : i32 to vector<16xi32>
      %add3A_1040 = arith.addi %mul3A_1027, %add3A_1039 : vector<16xi32>
      %gather3A_1041 = tpu.vector_load_idx %arg6[%add3A_1040] : memref<248xf32, #tpu.memory_space<vmem>>[vector<16xi32>], vector<16xf32>,
      %add3A_1042 = arith.addf %add3A_1015, %gather3A_1041 : vector<16xf32>
      %add3A_1043 = arith.constant 3 : i32
      %add3A_1044 = vector.broadcast %add3A_1043 : i32 to vector<16xi32>
      %add3A_1045 = arith.addi %mul3A_1027, %add3A_1044 : vector<16xi32>
      %gather3A_1046 = tpu.vector_load_idx %arg6[%add3A_1045] : memref<248xf32, #tpu.memory_space<vmem>>[vector<16xi32>], vector<16xf32>,
      %add3A_1047 = arith.addf %add3A_1020, %gather3A_1046 : vector<16xf32>
      %get3A_1048 = arith.constant 17 : i32
      %get3A_1049 = arith.index_cast %get3A_1048 : i32 to index
      %get3A_1050 = arith.index_cast %mul3A_580 : i32 to index
      %get3A_1051 = tpu.vector_load %arg5[%get3A_1049, %get3A_1050] {strides = array<i32>} : memref<20x512xi32, #tpu.memory_space<vmem>>, vector<16xi32>,
      %mul3A_1052 = arith.constant 4 : i32
      %mul3A_1053 = vector.broadcast %mul3A_1052 : i32 to vector<16xi32>
      %mul3A_1054 = arith.muli %get3A_1051, %mul3A_1053 : vector<16xi32>
      %add3A_1055 = arith.constant 0 : i32
      %add3A_1056 = vector.broadcast %add3A_1055 : i32 to vector<16xi32>
      %add3A_1057 = arith.addi %mul3A_1054, %add3A_1056 : vector<16xi32>
      %gather3A_1058 = tpu.vector_load_idx %arg6[%add3A_1057] : memref<248xf32, #tpu.memory_space<vmem>>[vector<16xi32>], vector<16xf32>,
      %add3A_1059 = arith.addf %add3A_1032, %gather3A_1058 : vector<16xf32>
      %add3A_1060 = arith.constant 1 : i32
      %add3A_1061 = vector.broadcast %add3A_1060 : i32 to vector<16xi32>
      %add3A_1062 = arith.addi %mul3A_1054, %add3A_1061 : vector<16xi32>
      %gather3A_1063 = tpu.vector_load_idx %arg6[%add3A_1062] : memref<248xf32, #tpu.memory_space<vmem>>[vector<16xi32>], vector<16xf32>,
      %add3A_1064 = arith.addf %add3A_1037, %gather3A_1063 : vector<16xf32>
      %add3A_1065 = arith.constant 2 : i32
      %add3A_1066 = vector.broadcast %add3A_1065 : i32 to vector<16xi32>
      %add3A_1067 = arith.addi %mul3A_1054, %add3A_1066 : vector<16xi32>
      %gather3A_1068 = tpu.vector_load_idx %arg6[%add3A_1067] : memref<248xf32, #tpu.memory_space<vmem>>[vector<16xi32>], vector<16xf32>,
      %add3A_1069 = arith.addf %add3A_1042, %gather3A_1068 : vector<16xf32>
      %add3A_1070 = arith.constant 3 : i32
      %add3A_1071 = vector.broadcast %add3A_1070 : i32 to vector<16xi32>
      %add3A_1072 = arith.addi %mul3A_1054, %add3A_1071 : vector<16xi32>
      %gather3A_1073 = tpu.vector_load_idx %arg6[%add3A_1072] : memref<248xf32, #tpu.memory_space<vmem>>[vector<16xi32>], vector<16xf32>,
      %add3A_1074 = arith.addf %add3A_1047, %gather3A_1073 : vector<16xf32>
      %get3A_1075 = arith.constant 18 : i32
      %get3A_1076 = arith.index_cast %get3A_1075 : i32 to index
      %get3A_1077 = arith.index_cast %mul3A_580 : i32 to index
      %get3A_1078 = tpu.vector_load %arg5[%get3A_1076, %get3A_1077] {strides = array<i32>} : memref<20x512xi32, #tpu.memory_space<vmem>>, vector<16xi32>,
      %mul3A_1079 = arith.constant 4 : i32
      %mul3A_1080 = vector.broadcast %mul3A_1079 : i32 to vector<16xi32>
      %mul3A_1081 = arith.muli %get3A_1078, %mul3A_1080 : vector<16xi32>
      %add3A_1082 = arith.constant 0 : i32
      %add3A_1083 = vector.broadcast %add3A_1082 : i32 to vector<16xi32>
      %add3A_1084 = arith.addi %mul3A_1081, %add3A_1083 : vector<16xi32>
      %gather3A_1085 = tpu.vector_load_idx %arg6[%add3A_1084] : memref<248xf32, #tpu.memory_space<vmem>>[vector<16xi32>], vector<16xf32>,
      %add3A_1086 = arith.addf %add3A_1059, %gather3A_1085 : vector<16xf32>
      %add3A_1087 = arith.constant 1 : i32
      %add3A_1088 = vector.broadcast %add3A_1087 : i32 to vector<16xi32>
      %add3A_1089 = arith.addi %mul3A_1081, %add3A_1088 : vector<16xi32>
      %gather3A_1090 = tpu.vector_load_idx %arg6[%add3A_1089] : memref<248xf32, #tpu.memory_space<vmem>>[vector<16xi32>], vector<16xf32>,
      %add3A_1091 = arith.addf %add3A_1064, %gather3A_1090 : vector<16xf32>
      %add3A_1092 = arith.constant 2 : i32
      %add3A_1093 = vector.broadcast %add3A_1092 : i32 to vector<16xi32>
      %add3A_1094 = arith.addi %mul3A_1081, %add3A_1093 : vector<16xi32>
      %gather3A_1095 = tpu.vector_load_idx %arg6[%add3A_1094] : memref<248xf32, #tpu.memory_space<vmem>>[vector<16xi32>], vector<16xf32>,
      %add3A_1096 = arith.addf %add3A_1069, %gather3A_1095 : vector<16xf32>
      %add3A_1097 = arith.constant 3 : i32
      %add3A_1098 = vector.broadcast %add3A_1097 : i32 to vector<16xi32>
      %add3A_1099 = arith.addi %mul3A_1081, %add3A_1098 : vector<16xi32>
      %gather3A_1100 = tpu.vector_load_idx %arg6[%add3A_1099] : memref<248xf32, #tpu.memory_space<vmem>>[vector<16xi32>], vector<16xf32>,
      %add3A_1101 = arith.addf %add3A_1074, %gather3A_1100 : vector<16xf32>
      %get3A_1102 = arith.constant 19 : i32
      %get3A_1103 = arith.index_cast %get3A_1102 : i32 to index
      %get3A_1104 = arith.index_cast %mul3A_580 : i32 to index
      %get3A_1105 = tpu.vector_load %arg5[%get3A_1103, %get3A_1104] {strides = array<i32>} : memref<20x512xi32, #tpu.memory_space<vmem>>, vector<16xi32>,
      %mul3A_1106 = arith.constant 4 : i32
      %mul3A_1107 = vector.broadcast %mul3A_1106 : i32 to vector<16xi32>
      %mul3A_1108 = arith.muli %get3A_1105, %mul3A_1107 : vector<16xi32>
      %add3A_1109 = arith.constant 0 : i32
      %add3A_1110 = vector.broadcast %add3A_1109 : i32 to vector<16xi32>
      %add3A_1111 = arith.addi %mul3A_1108, %add3A_1110 : vector<16xi32>
      %gather3A_1112 = tpu.vector_load_idx %arg6[%add3A_1111] : memref<248xf32, #tpu.memory_space<vmem>>[vector<16xi32>], vector<16xf32>,
      %add3A_1113 = arith.addf %add3A_1086, %gather3A_1112 : vector<16xf32>
      %add3A_1114 = arith.constant 1 : i32
      %add3A_1115 = vector.broadcast %add3A_1114 : i32 to vector<16xi32>
      %add3A_1116 = arith.addi %mul3A_1108, %add3A_1115 : vector<16xi32>
      %gather3A_1117 = tpu.vector_load_idx %arg6[%add3A_1116] : memref<248xf32, #tpu.memory_space<vmem>>[vector<16xi32>], vector<16xf32>,
      %add3A_1118 = arith.addf %add3A_1091, %gather3A_1117 : vector<16xf32>
      %add3A_1119 = arith.constant 2 : i32
      %add3A_1120 = vector.broadcast %add3A_1119 : i32 to vector<16xi32>
      %add3A_1121 = arith.addi %mul3A_1108, %add3A_1120 : vector<16xi32>
      %gather3A_1122 = tpu.vector_load_idx %arg6[%add3A_1121] : memref<248xf32, #tpu.memory_space<vmem>>[vector<16xi32>], vector<16xf32>,
      %add3A_1123 = arith.addf %add3A_1096, %gather3A_1122 : vector<16xf32>
      %add3A_1124 = arith.constant 3 : i32
      %add3A_1125 = vector.broadcast %add3A_1124 : i32 to vector<16xi32>
      %add3A_1126 = arith.addi %mul3A_1108, %add3A_1125 : vector<16xi32>
      %gather3A_1127 = tpu.vector_load_idx %arg6[%add3A_1126] : memref<248xf32, #tpu.memory_space<vmem>>[vector<16xi32>], vector<16xf32>,
      %add3A_1128 = arith.addf %add3A_1101, %gather3A_1127 : vector<16xf32>
      %swap3A_1129 = arith.constant 0 : i32
      %swap3A_1130 = arith.index_cast %swap3A_1129 : i32 to index
      %swap3A_1131 = arith.index_cast %mul3A_580 : i32 to index
      %swap3A_1132 = tpu.vector_load %arg7[%swap3A_1130, %swap3A_1131] {strides = array<i32>} : memref<4x512xf32, #tpu.memory_space<vmem>>, vector<16xf32>,
      tpu.vector_store %arg7[%swap3A_1130, %swap3A_1131], %add3A_1113 {strides = array<i32>} : memref<4x512xf32, #tpu.memory_space<vmem>>, vector<16xf32>,
      %swap3A_1133 = arith.constant 1 : i32
      %swap3A_1134 = arith.index_cast %swap3A_1133 : i32 to index
      %swap3A_1135 = arith.index_cast %mul3A_580 : i32 to index
      %swap3A_1136 = tpu.vector_load %arg7[%swap3A_1134, %swap3A_1135] {strides = array<i32>} : memref<4x512xf32, #tpu.memory_space<vmem>>, vector<16xf32>,
      tpu.vector_store %arg7[%swap3A_1134, %swap3A_1135], %add3A_1118 {strides = array<i32>} : memref<4x512xf32, #tpu.memory_space<vmem>>, vector<16xf32>,
      %swap3A_1137 = arith.constant 2 : i32
      %swap3A_1138 = arith.index_cast %swap3A_1137 : i32 to index
      %swap3A_1139 = arith.index_cast %mul3A_580 : i32 to index
      %swap3A_1140 = tpu.vector_load %arg7[%swap3A_1138, %swap3A_1139] {strides = array<i32>} : memref<4x512xf32, #tpu.memory_space<vmem>>, vector<16xf32>,
      tpu.vector_store %arg7[%swap3A_1138, %swap3A_1139], %add3A_1123 {strides = array<i32>} : memref<4x512xf32, #tpu.memory_space<vmem>>, vector<16xf32>,
      %swap3A_1141 = arith.constant 3 : i32
      %swap3A_1142 = arith.index_cast %swap3A_1141 : i32 to index
      %swap3A_1143 = arith.index_cast %mul3A_580 : i32 to index
      %swap3A_1144 = tpu.vector_load %arg7[%swap3A_1142, %swap3A_1143] {strides = array<i32>} : memref<4x512xf32, #tpu.memory_space<vmem>>, vector<16xf32>,
      tpu.vector_store %arg7[%swap3A_1142, %swap3A_1143], %add3A_1128 {strides = array<i32>} : memref<4x512xf32, #tpu.memory_space<vmem>>, vector<16xf32>,
    }
    %scan3A_7 = arith.constant 16 : i32
    "tpu.region"() ({
      %run_scoped3A = tpu.sem_alloc : memref<!tpu.dma_semaphore, #tpu.memory_space<semaphore_mem>>
      %dma_start3A = arith.constant 0 : i32
      %dma_start3A_8 = tpu.memref_slice %arg4[%dma_start3A, %mul3A_2] : memref<4x16384xf32, #tpu.memory_space<hbm>> -> memref<4x512xf32, #tpu.memory_space<hbm>>
      %dma_start3A_9 = arith.constant 0 : i32
      %dma_start3A_10 = tpu.memref_slice %arg4[%dma_start3A_9, %mul3A_2] : memref<4x16384xf32, #tpu.memory_space<hbm>> -> memref<4x512xf32, #tpu.memory_space<hbm>>
      tpu.enqueue_dma source(%arg7 : memref<4x512xf32, #tpu.memory_space<vmem>>) target(%dma_start3A_10 : memref<4x512xf32, #tpu.memory_space<hbm>>) target_semaphore(%run_scoped3A : memref<!tpu.dma_semaphore, #tpu.memory_space<semaphore_mem>>)
      %dma_wait3A = arith.constant 0 : i32
      %dma_wait3A_11 = tpu.memref_slice %arg4[%dma_wait3A, %mul3A_2] : memref<4x16384xf32, #tpu.memory_space<hbm>> -> memref<4x512xf32, #tpu.memory_space<hbm>>
      %dma_wait3A_12 = arith.constant 0 : i32
      %dma_wait3A_13 = tpu.memref_slice %arg4[%dma_wait3A_12, %mul3A_2] : memref<4x16384xf32, #tpu.memory_space<hbm>> -> memref<4x512xf32, #tpu.memory_space<hbm>>
      tpu.wait_dma2 semaphore(%run_scoped3A : memref<!tpu.dma_semaphore, #tpu.memory_space<semaphore_mem>>) src(%arg7 : memref<4x512xf32, #tpu.memory_space<vmem>>) dst(%dma_wait3A_13 : memref<4x512xf32, #tpu.memory_space<hbm>>)
      tpu.yield
    }) : () -> ()
    return
  }
}

module attributes {stable_mosaic.version = 14 : i64} {
  func.func @body(%arg0: i32, %arg1: memref<4x8192xf32, #tpu.memory_space<vmem>>, %arg2: memref<4x62xf32, #tpu.memory_space<vmem>>, %arg3: memref<62x1xf32, #tpu.memory_space<vmem>>, %arg4: memref<62x8192xf32, #tpu.memory_space<vmem>>) attributes {dimension_semantics = [#tpu.dimension_semantics<arbitrary>], iteration_bounds = array<i64: 2>, scalar_prefetch = 0 : i64, scratch_operands = 0 : i64, tpu.core_type = #tpu.core_type<tc>, window_params = [{transform_indices = @transform_0, window_bounds = array<i64: 4, 8192>}, {pipeline_mode = #tpu.pipeline_mode<synchronous>, transform_indices = @transform_1, window_bounds = array<i64: 4, 62>}, {pipeline_mode = #tpu.pipeline_mode<synchronous>, transform_indices = @transform_2, window_bounds = array<i64: 62, 1>}, {transform_indices = @transform_3, window_bounds = array<i64: 62, 8192>}]} {
    %get3A = arith.constant 0 : index
    %get3A_0 = arith.constant 0 : index
    %get3A_1 = vector.load %arg2[%get3A, %get3A_0] : memref<4x62xf32, #tpu.memory_space<vmem>>, vector<4x62xf32>
    %get3A_2 = arith.constant 0 : index
    %get3A_3 = arith.constant 0 : index
    %get3A_4 = vector.load %arg1[%get3A_2, %get3A_3] : memref<4x8192xf32, #tpu.memory_space<vmem>>, vector<4x8192xf32>
    %dot_general3A = arith.constant dense<0.000000e+00> : vector<62x8192xf32>
    %dot_general3A_5 = tpu.matmul %get3A_1, %get3A_4, %dot_general3A {dimension_numbers = #tpu.dot_dimension_numbers<[0], [0], [1], [1], [0, 1, 1, 1], [], []>, transpose_lhs_hint = false} : vector<4x62xf32>, vector<4x8192xf32>, vector<62x8192xf32> -> vector<62x8192xf32>
    %get3A_6 = arith.constant 0 : index
    %get3A_7 = arith.constant 0 : index
    %get3A_8 = vector.load %arg3[%get3A_6, %get3A_7] : memref<62x1xf32, #tpu.memory_space<vmem>>, vector<62x1xf32>
    %broadcast_in_dim3A = vector.shape_cast %get3A_8 : vector<62x1xf32> to vector<62x1xf32>
    %broadcast_in_dim3A_9 = vector.broadcast %broadcast_in_dim3A : vector<62x1xf32> to vector<62x8192xf32>
    %add3A = arith.addf %dot_general3A_5, %broadcast_in_dim3A_9 : vector<62x8192xf32>
    %exp3A = math.exp %add3A : vector<62x8192xf32>
    %broadcast_in_dim3A_10 = arith.constant 1.000000e+00 : f32
    %broadcast_in_dim3A_11 = vector.broadcast %broadcast_in_dim3A_10 : f32 to vector<62x62xf32>
    %dot_general3A_12 = arith.constant dense<0.000000e+00> : vector<62x8192xf32>
    %dot_general3A_13 = tpu.matmul %broadcast_in_dim3A_11, %exp3A, %dot_general3A_12 {dimension_numbers = #tpu.dot_dimension_numbers<[1], [0], [0], [1], [0, 0, 1, 1], [], []>, transpose_lhs_hint = false} : vector<62x62xf32>, vector<62x8192xf32>, vector<62x8192xf32> -> vector<62x8192xf32>
    %log3A = math.log %dot_general3A_13 : vector<62x8192xf32>
    %sub3A = arith.subf %add3A, %log3A : vector<62x8192xf32>
    %swap3A = arith.constant 0 : index
    %swap3A_14 = arith.constant 0 : index
    %swap3A_15 = vector.load %arg4[%swap3A, %swap3A_14] : memref<62x8192xf32, #tpu.memory_space<vmem>>, vector<62x8192xf32>
    tpu.vector_store %arg4[%swap3A, %swap3A_14], %sub3A {strides = array<i32>} : memref<62x8192xf32, #tpu.memory_space<vmem>>, vector<62x8192xf32>,
    return
  }
  func.func @transform_0(%arg0: i32) -> (i32, i32) {
    %c0_i32 = arith.constant 0 : i32
    %c0_i32_0 = arith.constant 0 : i32
    return %c0_i32, %arg0 : i32, i32
  }
  func.func @transform_1(%arg0: i32) -> (i32, i32) {
    %c0_i32 = arith.constant 0 : i32
    %c0_i32_0 = arith.constant 0 : i32
    %c0_i32_1 = arith.constant 0 : i32
    return %c0_i32, %c0_i32_0 : i32, i32
  }
  func.func @transform_2(%arg0: i32) -> (i32, i32) {
    %c0_i32 = arith.constant 0 : i32
    %c0_i32_0 = arith.constant 0 : i32
    %c0_i32_1 = arith.constant 0 : i32
    return %c0_i32, %c0_i32_0 : i32, i32
  }
  func.func @transform_3(%arg0: i32) -> (i32, i32) {
    %c0_i32 = arith.constant 0 : i32
    %c0_i32_0 = arith.constant 0 : i32
    return %c0_i32, %arg0 : i32, i32
  }
}

</mosaic_0001>

<sc_bundles>
// kernel: kernel.4.cloned.1.call-start
scs
__scs_entry_jumppad:
0x0: {  	(pc) =	sbr.rel $0x88, $3  }
0x1: {  	(tag) =	ssettag $0x0;
	lr =	simm.s32 $0x1  }
0x2: {  	[smem:$0x3F9D] =	sst lr;
	_ =	strace $0xD0000000  }
0x3: {  	_ = 	snop  }
0x4: {  	_ = 	snop  }
0x5: {  	_ = 	snop  }
0x6: {  	_ = 	snop  }
0x7: {  	_ = 	snop  }
__scs_overlays_trampoline_lowered:
0x8: {  	[smem:$0x3FAC] =	sst s0  }
0x9: {  	[smem:$0x3FAD] =	sst s1  }
0xa: {  	[smem:$0x3FAE] =	sst s2  }
0xb: {  	[smem:$0x3FAF] =	sst s3  }
0xc: {  	[smem:$0x3FB0] =	sst s4  }
0xd: {  	[smem:$0x3FB1] =	sst s5  }
0xe: {  	[smem:$0x3FB2] =	sst s6  }
0xf: {  	[smem:$0x3FB3] =	sst s7  }
0x10: {  	[smem:$0x3FB4] =	sst s8  }
0x11: {  	[smem:$0x3FB5] =	sst s9;
	s0 =	simm.s32 @!p0 $0x0  }
0x12: {  	s1 =	sld [smem:$0x3F9B];
	s0 =	simm.s32 @p0 $0x1  }
0x13: {  	[smem:$0x3FB6] =	sst s0;
	s0 =	simm.s32 @!p1 $0x0  }
0x14: {  	s2 =	sld [smem:$0x3F9A];
	s0 =	simm.s32 @p1 $0x1  }
0x15: {  	[smem:$0x3FB7] =	sst s0;
	s0 =	simm.s32 @!p2 $0x0  }
0x16: {  	s3 =	sld [smem:$0x3FDB];
	s0 =	simm.s32 @p2 $0x1  }
0x17: {  	s4 =	simm.s32 $0x1BF5;
	[smem:$0x3FB9] =	sst s0  }
0x18: {  	s0 =	sld [smem:$0x3F9C];
	_ =	swait.ge [sflag:s4], $0x0  }
0x19: {  	s7 =	sld [smem:$0x3F9D]  }
0x1a: {  	s8 =	sadd.s32 $0xFFFFE003, lr  }
0x1b: {  	s9 =	sadd.s32 $0xFFFFFEF7, lr;
	s5 =	simm.s32 $0xFFFFFFFF;
	p2 =	slt.u32 s8, $0xFFFFF086  }
0x1c: {  	p1 =	slt.u32 s9, $0xF7A;
	s5 =	simm.s32 @!p2 $0x0  }
0x1d: {  	s5 =	simm.s32 @p1 $0x1;
	p0 =	seq.s32 s7, s2  }
0x1e: {  	s7 =	smul.u32 @!p0 $0xF7A, s2;
	p2 =	seq.s32 @!p0 s5, $0x0  }
0x1f: {  	s9 =	smul.u32 $0xF7A, s1;
	s8 =	simm.s32 @!p0 $0x1BF5;
	p2 =	por !p2, p0  }
0x20: {  	[sflag:s8] =	ssyncset.s32 @!p0 $0xFFFFF086;
	s6 =	sadd.s32 @!p0 s3, s7;
	s7 =	simm.s32 @!p0 $0x108  }
0x21: {  	s3 =	sadd.s32 s3, s9;
	s6 =	sadd.s32 @!p0 $0x88, s6;
	s7 =	simm.s32 @p2 $0x1082  }
0x22: {  	[simem:s7], [sflag:s8] =	dma.local @!p0 [hbm:s6], $0xF7A  }
0x23: {  	s9 =	sor.u32 $0xD0000000, s2;
	s6 =	simm.s32 $0x108;
	_ =	swait.ge @!p0 [sflag:s8], $0x0  }
0x24: {  	s3 =	sadd.s32 $0x88, s3;
	s6 =	simm.s32 @!p1 $0x1082;
	[sflag:s4] =	ssyncset.s32 $0xFFFFF086  }
0x25: {  	[simem:s6], [sflag:s4] =	dma.local [hbm:s3], $0xF7A  }
0x26: {  	[smem:$0x3F9D] =	sst s1;
	(tag) =	ssettag s2;
	_ =	strace s9  }
0x27: {  	s1 =	sld [smem:$0x3FAD]  }
0x28: {  	s2 =	sld [smem:$0x3FAE]  }
0x29: {  	s4 =	sld [smem:$0x3FB0]  }
0x2a: {  	p0 =	seq.s32 s5, $0x0;
	s5 =	sld [smem:$0x3FB1]  }
0x2b: {  	s6 =	sld [smem:$0x3FB2]  }
0x2c: {  	s7 =	sld [smem:$0x3FB3]  }
0x2d: {  	s3 =	simm.s32 $0x108;
	s8 =	sld [smem:$0x3FB4]  }
0x2e: {  	s3 =	simm.s32 @!p0 $0x1082;
	s9 =	sld [smem:$0x3FB5]  }
0x2f: {  	lr =	sadd.s32 s0, s3;
	s0 =	sld [smem:$0x3FAC]  }
0x30: {  	s3 =	sld [smem:$0x3FAF]  }
0x31: {  	[smem:$0x3FB8] =	sst s10  }
0x32: {  	s10 =	sld [smem:$0x3FB6];
	_ =	sdelay $0x3  }
0x33: {  	p0 =	seq.s32 s10, $0x1;
	s10 =	sld [smem:$0x3FB8];
	_ =	sdelay $0x3  }
0x34: {  	[smem:$0x3FB8] =	sst s10  }
0x35: {  	s10 =	sld [smem:$0x3FB7];
	_ =	sdelay $0x3  }
0x36: {  	p1 =	seq.s32 s10, $0x1;
	s10 =	sld [smem:$0x3FB8];
	_ =	sdelay $0x3  }
0x37: {  	[smem:$0x3FB8] =	sst s10  }
0x38: {  	s10 =	sld [smem:$0x3FB9]  }
0x39: {  	_ = 	snop;
	(pc) =	sbr.ind lr, $3  }
0x3a: {  	_ = 	snop  }
0x3b: {  	_ = 	snop  }
0x3c: {  	p2 =	seq.s32 s10, $0x1;
	s10 =	sld [smem:$0x3FB8]  }
0x3d: {  	_ =	shalt  }
0x3e: {  	_ =	shalt  }
0x3f: {  	_ =	shalt  }
0x40: {  	_ =	shalt  }
0x41: {  	_ =	shalt  }
0x42: {  	_ =	shalt  }
0x43: {  	_ =	shalt  }
0x44: {  	_ =	shalt  }
0x45: {  	_ =	shalt  }
0x46: {  	_ =	shalt  }
0x47: {  	_ =	shalt  }
0x48: {  	_ =	shalt  }
0x49: {  	_ =	shalt  }
0x4a: {  	_ =	shalt  }
0x4b: {  	_ =	shalt  }
0x4c: {  	_ =	shalt  }
0x4d: {  	_ =	shalt  }
0x4e: {  	_ =	shalt  }
0x4f: {  	_ =	shalt  }
0x50: {  	_ =	shalt  }
0x51: {  	_ =	shalt  }
0x52: {  	_ =	shalt  }
0x53: {  	_ =	shalt  }
0x54: {  	_ =	shalt  }
0x55: {  	_ =	shalt  }
0x56: {  	_ =	shalt  }
0x57: {  	_ =	shalt  }
0x58: {  	_ =	shalt  }
0x59: {  	_ =	shalt  }
0x5a: {  	_ =	shalt  }
0x5b: {  	_ =	shalt  }
0x5c: {  	_ =	shalt  }
0x5d: {  	_ =	shalt  }
0x5e: {  	_ =	shalt  }
0x5f: {  	_ =	shalt  }
0x60: {  	_ =	shalt  }
0x61: {  	_ =	shalt  }
0x62: {  	_ =	shalt  }
0x63: {  	_ =	shalt  }
0x64: {  	_ =	shalt  }
0x65: {  	_ =	shalt  }
0x66: {  	_ =	shalt  }
0x67: {  	_ =	shalt  }
0x68: {  	_ =	shalt  }
0x69: {  	_ =	shalt  }
0x6a: {  	_ =	shalt  }
0x6b: {  	_ =	shalt  }
0x6c: {  	_ =	shalt  }
0x6d: {  	_ =	shalt  }
0x6e: {  	_ =	shalt  }
0x6f: {  	_ =	shalt  }
0x70: {  	_ =	shalt  }
0x71: {  	_ =	shalt  }
0x72: {  	_ =	shalt  }
0x73: {  	_ =	shalt  }
0x74: {  	_ =	shalt  }
0x75: {  	_ =	shalt  }
0x76: {  	_ =	shalt  }
0x77: {  	_ =	shalt  }
0x78: {  	_ =	shalt  }
0x79: {  	_ =	shalt  }
0x7a: {  	_ =	shalt  }
0x7b: {  	_ =	shalt  }
0x7c: {  	_ =	shalt  }
0x7d: {  	_ =	shalt  }
0x7e: {  	_ =	shalt  }
0x7f: {  	_ =	shalt  }
0x80: {  	_ =	shalt  }
0x81: {  	_ =	shalt  }
0x82: {  	_ =	shalt  }
0x83: {  	_ =	shalt  }
0x84: {  	_ =	shalt  }
0x85: {  	_ =	shalt  }
0x86: {  	_ =	shalt  }
0x87: {  	_ =	shalt  }
.Lfunc_end0:
.L_simem_size_0:
called_computation_lowered:
.L_overlay_start_0:
0x88: {  	s2 =	sld [smem:$0x3FD9]  }
0x89: {  	s3 =	sld [smem:$0x3FFE];
	_ =	sdelay $0x1  }
0x8a: {  	s1 =	srdreg.scid  }
0x8b: {  	s0 =	sand.u32 $0x1, s1  }
0x8c: {  	s17 =	sshll.u32 s0, $0xA;
	s2 =	sadd.s32 s3, s2  }
0x8d: {  	s2 =	sadd.s32 s2, s17  }
0x8e: {  	[smem:$0x3FC4] =	sst s2  }
0x8f: {  	_ = 	snop  }
0x90: {  	s2 =	sld [smem:$0x3FC9]  }
0x91: {  	s18 =	sld [smem:$0x3FD0];
	(tm) =	ssettm $0x1  }
0x92: {  	s4 =	sld [smem:$0x3FFB];
	_ =	sdelay $0x3  }
0x93: {  	_ =	strace s4  }
0x94: {  	s4 =	sld [smem:$0x3FFC];
	_ =	sdelay $0x3  }
0x95: {  	_ =	strace s4  }
0x96: {  	s4 =	sld [smem:$0x3FFD];
	_ =	sdelay $0x3  }
0x97: {  	_ =	strace s4  }
0x98: {  	_ =	strace $0x8FFFFFFF  }
0x99: {  	s19 =	sld [smem:$0x3FDB];
	_ =	sdelay $0x1  }
0x9a: {  	s5 =	simm.s32 $_scs_section_size  }
0x9b: {  	s6 =	simm.s32 $_size__tile_overlayer_lowered;
	s7 =	simm.s32 $_tile_overlayer_lowered  }
0x9c: {  	s22 =	simm.s32 $0x1BFF;
	s21 =	sshll.u32 s7, $0x1;
	s4 =	sadd.s32 s5, s19  }
0x9d: {  	s8 =	simm.s32 $0x0;
	s20 =	sshll.u32 s6, $0x1;
	s6 =	sadd.s32 s21, s4  }
0x9e: {  	[timem:s8], [sflag:s22] =	dma.local [hbm:s6], s20  }
0x9f: {  	_ =	swait.ge [sflag:s22], s20  }
0xa0: {  	s5 =	ssub.s32 $0x0, s20;
	[sflag:s22] =	ssyncset.done $0x0  }
0xa1: {  	[sflag:s22] =	ssyncadd.s32 s5;
	_ =	sdelay $0x1  }
0xa2: {  	s23 =	simm.s32 $0x1B8B  }
0xa3: {  	_ =	swait.ge [sflag:s23], $0x1  }
0xa4: {  	[sflag:s23] =	ssyncset.done $0x0  }
0xa5: {  	s25 =	simm.s32 $0x1B8E;
	s24 =	sld [smem:$0x3FFE];
	[sflag:s23] =	ssyncadd.s32 $0xFFFFFFFF  }
0xa6: {  	s26 =	simm.s32 $execute0_lowered;
	[smem:$0x3FD2] =	sst s25  }
0xa7: {  	s6 =	sshll.u32 s26, $0x1;
	_ =	strace $0x80000046;
	[dreg:$0x1] =	wrdreg $0xFFFFFFFF  }
0xa8: {  	s28 =	simm.s32 $_size_execute0_lowered;
	s4 =	sadd.s32 s4, s6;
	[dreg:$0x0] =	wrdreg $0x0  }
0xa9: {  	s6 =	sshll.u32 s28, $0x1;
	[dreg:$0x2] =	wrdreg s4  }
0xaa: {  	[dreg:$0x3] =	wrdreg s6  }
0xab: {  	[dreg:$0x4] =	wrdreg $0xC0  }
0xac: {  	_ =	task [dreg:s8], $0x5FFFF  }
0xad: {  	[dreg:$0x1] =	wrdreg $0xFFFFFFFF  }
0xae: {  	[dreg:$0x0] =	wrdreg $0x60  }
0xaf: {  	[dreg:$0x2] =	wrdreg s2  }
0xb0: {  	[dreg:$0x3] =	wrdreg s24  }
0xb1: {  	[dreg:$0x4] =	wrdreg s18  }
0xb2: {  	[dreg:$0x5] =	wrdreg $0x9  }
0xb3: {  	_ =	task.clear_ibuf [dreg:s8], $0x6FFFF;
	_ =	strace $0x90000046  }
0xb4: {  	s29 =	simm.s32 $0x9;
	_ =	strace $0x80000048  }
0xb5: {  	_ =	swait.ge [sflag:s29], $0x1  }
0xb6: {  	[sflag:s29] =	ssyncadd.s32 $0xFFFFFFFF  }
0xb7: {  	_ =	strace $0x90000048  }
0xb8: {  	_ =	sfence  }
0xb9: {  	s30 =	sld [smem:$0x0];
	_ =	sdelay $0x2  }
0xba: {  	s31 =	sshll.u32 s1, $0xD;
	s1 =	sshrl.u32 s1, $0x2  }
0xbb: {  	s3 =	sand.u32 $0x4000, s31;
	s1 =	sadd.s32 s1, s30  }
0xbc: {  	s0 =	sor.u32 s3, s0;
	s1 =	sshll.u32 s1, $0x11  }
0xbd: {  	s0 =	sor.u32 s1, s0  }
0xbe: {  	s0 =	sadd.s32 $0x8F2B, s0  }
0xbf: {  	[sflag:s0] =	ssyncadd.remote.s32 $0x1  }
0xc0: {  	_ =	sfence.sel $0xFFFF  }
0xc1: {  	[dreg:$0x0] =	wrdreg $0xFFFFFFFF;
	(pc) =	sbr.abs _section_cstart, $3  }
0xc2: {  	[dreg:$0x1] =	wrdreg $0xFFFFFFFF  }
0xc3: {  	_ =	task.clear_ibuf [dreg:s8], $0x2FFFF;
	_ =	strace $0x9FFFFFFF  }
0xc4: {  	(tm) =	ssettm $0x7FFFFFFF  }
0xc5: {  	_ =	shalt  }
tec
execute0_lowered:
.L_overlay_start_1:
0x0: {  	(tag) =	ssettag $0x1  }
0x1: {  	s4 =	rddreg [dreg:$0x0]  }
0x2: {  	s3 =	rddreg [dreg:$0x1]  }
0x3: {  	s5 =	rddreg [dreg:$0x2]  }
0x4: {  	s0 =	rddreg [dreg:$0x3];
	s2 =	simm.s32 $0x0;
	s6 =	srdreg.scid  }
0x5: {  	s1 =	stileid.u32;
	s10 =	simm.s32 $0x3000;
	s11 =	simm.s32 $0x3100  }
0x6: {  	s12 =	simm.s32 $0x0;
	[smem:$0x7FF] =	sst s2;
	s6 =	sand.u32 $0x1, s6  }
0x7: {  	s8 =	sshll.u32 s1, $0xA;
	s7 =	ssub.s32 $0x2, s6;
	s6 =	sshll.u32 s6, $0x9  }
0x8: {  	s3 =	sadd.s32 $0xA00, s3;
	s9 =	sshrl.u32 s7, $0x1;
	s6 =	sor.u32 s6, s8  }
0x9: {  	_ =	strace $0x80000047;
	s7 =	ssub.s32 s7, s9;
	s8 =	sshrl.u32 s6, $0x1  }
0xa: {  	s4 =	sadd.s32 s4, s6;
	s9 =	simm.s32 $0x1;
	s5 =	sadd.s32 s5, s8  }
0xb: {  	s6 =	smax.u32 s7, $0x1;
	s7 =	simm.s32 $0x1000;
	s8 =	simm.s32 $0x20000  }
.LBB2_1:
0xc: {  	[tilespmem:s2], [sflag:$0x1] =	stream.strided.gather [hbm4b:s4+s7], $0x3000, s8, s7, $0x38;
	[tilespmem:$0x3900] =	vst v63  }
0xd: {  	_ =	swait.ge [sflag:s9], $0x3000  }
0xe: {  	[sflag:s9] =	ssyncset.done $0x0  }
0xf: {  	[sflag:s9] =	ssyncadd.s32 $0xFFFFD000  }
0x10: {  	[tilespmem:s10], [sflag:$0x1] =	stream.linear.gather [hbm4b:s3+s2], $0x100, $0x38;
	[tilespmem:$0x3900] =	vst v63  }
0x11: {  	_ =	swait.ge [sflag:s9], $0x100  }
0x12: {  	[sflag:s9] =	ssyncset.done $0x0  }
0x13: {  	s13 =	simm.s32 $0x0;
	s14 =	simm.s32 $0x0;
	[sflag:s9] =	ssyncadd.s32 $0xFFFFFF00  }
.LBB2_2:
0x14: {  	s15 =	sshll.u32 s14, $0x8  }
0x15: {  	s17 =	sand.u32 $0x60, s13;
	s16 =	sand.u32 $0x3FFFFC00, s15  }
0x16: {  	s15 =	sor.u32 s17, s16  }
0x17: {  	v0 =	vld [tilespmem:s15+$0x0]  }
0x18: {  	v1 =	vld [tilespmem:s15+$0x80]  }
0x19: {  	v5 =	vld [tilespmem:s15+$0x100]  }
0x1a: {  	v9 =	vld [tilespmem:s15+$0x180]  }
0x1b: {  	v13 =	vld [tilespmem:s15+$0x200]  }
0x1c: {  	v17 =	vld [tilespmem:s15+$0x280]  }
0x1d: {  	v21 =	vld [tilespmem:s15+$0x300]  }
0x1e: {  	v25 =	vld [tilespmem:s15+$0x380];
	s15 =	sadd.s32 $0x1000, s16  }
0x1f: {  	s18 =	sor.u32 s17, s15  }
0x20: {  	v29 =	vld [tilespmem:s18+$0x0];
	s18 =	sadd.s32 $0x1080, s16  }
0x21: {  	s23 =	sadd.s32 $0x1280, s16;
	s19 =	sor.u32 s17, s18  }
0x22: {  	s29 =	sor.u32 s17, s23;
	v33 =	vld [tilespmem:s19+$0x0];
	s19 =	sadd.s32 $0x1100, s16;
	v0 =	vshll.u32 v0, $0x2  }
0x23: {  	s24 =	sadd.s32 $0x1300, s16;
	v49 =	vld [tilespmem:s29+$0x0];
	v1 =	vshll.u32 v1, $0x2;
	s20 =	sor.u32 s17, s19  }
0x24: {  	s30 =	sor.u32 s17, s24;
	v5 =	vshll.u32 v5, $0x2;
	v37 =	vld [tilespmem:s20+$0x0];
	s20 =	sadd.s32 $0x1180, s16  }
0x25: {  	v53 =	vld [tilespmem:s30+$0x0];
	v9 =	vshll.u32 v9, $0x2;
	v13 =	vshll.u32 v13, $0x2;
	s21 =	sor.u32 s17, s20  }
0x26: {  	v17 =	vshll.u32 v17, $0x2;
	v21 =	vshll.u32 v21, $0x2;
	v25 =	vshll.u32 v25, $0x2;
	v41 =	vld [tilespmem:s21+$0x0]  }
0x27: {  	v2 =	vor.u32 $0x1, v0;
	v3 =	vor.u32 $0x2, v0;
	v4 =	vor.u32 $0x3, v0;
	v0 =	vld.idx.msk [tilespmem:v0+s10+$0x0], $0xffff  }
0x28: {  	v6 =	vor.u32 $0x1, v1;
	v7 =	vor.u32 $0x2, v1;
	v8 =	vor.u32 $0x3, v1;
	v1 =	vld.idx.msk [tilespmem:v1+s10+$0x0], $0xffff  }
0x29: {  	v10 =	vor.u32 $0x1, v5;
	v11 =	vor.u32 $0x2, v5;
	v12 =	vor.u32 $0x3, v5;
	v5 =	vld.idx.msk [tilespmem:v5+s10+$0x0], $0xffff  }
0x2a: {  	v14 =	vor.u32 $0x1, v9;
	v15 =	vor.u32 $0x2, v9;
	v16 =	vor.u32 $0x3, v9;
	v9 =	vld.idx.msk [tilespmem:v9+s10+$0x0], $0xffff  }
0x2b: {  	v18 =	vor.u32 $0x1, v13;
	v19 =	vor.u32 $0x2, v13;
	v20 =	vor.u32 $0x3, v13;
	v13 =	vld.idx.msk [tilespmem:v13+s10+$0x0], $0xffff  }
0x2c: {  	v22 =	vor.u32 $0x1, v17;
	v23 =	vor.u32 $0x2, v17;
	v24 =	vor.u32 $0x3, v17;
	v17 =	vld.idx.msk [tilespmem:v17+s10+$0x0], $0xffff  }
0x2d: {  	v26 =	vor.u32 $0x1, v21;
	v27 =	vor.u32 $0x2, v21;
	v28 =	vor.u32 $0x3, v21;
	s21 =	sadd.s32 $0x1200, s16;
	v21 =	vld.idx.msk [tilespmem:v21+s10+$0x0], $0xffff  }
0x2e: {  	v30 =	vor.u32 $0x1, v25;
	v31 =	vor.u32 $0x2, v25;
	v32 =	vor.u32 $0x3, v25;
	s22 =	sor.u32 s17, s21;
	v25 =	vld.idx.msk [tilespmem:v25+s10+$0x0], $0xffff  }
0x2f: {  	v45 =	vld [tilespmem:s22+$0x0]  }
0x30: {  	v2 =	vld.idx.msk [tilespmem:v2+s10+$0x0], $0xffff  }
0x31: {  	v3 =	vld.idx.msk [tilespmem:v3+s10+$0x0], $0xffff  }
0x32: {  	v4 =	vld.idx.msk [tilespmem:v4+s10+$0x0], $0xffff  }
0x33: {  	v6 =	vld.idx.msk [tilespmem:v6+s10+$0x0], $0xffff  }
0x34: {  	v7 =	vld.idx.msk [tilespmem:v7+s10+$0x0], $0xffff  }
0x35: {  	v8 =	vld.idx.msk [tilespmem:v8+s10+$0x0], $0xffff  }
0x36: {  	v10 =	vld.idx.msk [tilespmem:v10+s10+$0x0], $0xffff  }
0x37: {  	v11 =	vld.idx.msk [tilespmem:v11+s10+$0x0], $0xffff  }
0x38: {  	v12 =	vld.idx.msk [tilespmem:v12+s10+$0x0], $0xffff  }
0x39: {  	v14 =	vld.idx.msk [tilespmem:v14+s10+$0x0], $0xffff  }
0x3a: {  	v15 =	vld.idx.msk [tilespmem:v15+s10+$0x0], $0xffff  }
0x3b: {  	v16 =	vld.idx.msk [tilespmem:v16+s10+$0x0], $0xffff  }
0x3c: {  	v18 =	vld.idx.msk [tilespmem:v18+s10+$0x0], $0xffff  }
0x3d: {  	v19 =	vld.idx.msk [tilespmem:v19+s10+$0x0], $0xffff  }
0x3e: {  	v20 =	vld.idx.msk [tilespmem:v20+s10+$0x0], $0xffff  }
0x3f: {  	v22 =	vld.idx.msk [tilespmem:v22+s10+$0x0], $0xffff  }
0x40: {  	v23 =	vld.idx.msk [tilespmem:v23+s10+$0x0], $0xffff  }
0x41: {  	v24 =	vld.idx.msk [tilespmem:v24+s10+$0x0], $0xffff  }
0x42: {  	v26 =	vld.idx.msk [tilespmem:v26+s10+$0x0], $0xffff  }
0x43: {  	v49 =	vshll.u32 v49, $0x2;
	v27 =	vld.idx.msk [tilespmem:v27+s10+$0x0], $0xffff  }
0x44: {  	v29 =	vshll.u32 v29, $0x2;
	v28 =	vld.idx.msk [tilespmem:v28+s10+$0x0], $0xffff  }
0x45: {  	v30 =	vld.idx.msk [tilespmem:v30+s10+$0x0], $0xffff  }
0x46: {  	v54 =	vor.u32 $0x1, v49;
	v31 =	vld.idx.msk [tilespmem:v31+s10+$0x0], $0xffff  }
0x47: {  	v60 =	vor.u32 $0x2, v49;
	v32 =	vld.idx.msk [tilespmem:v32+s10+$0x0], $0xffff  }
0x48: {  	v62 =	vshll.u32 v53, $0x2;
	v61 =	vor.u32 $0x3, v49;
	s22 =	sadd.s32 $0x1380, s16;
	v53 =	vld.idx.msk [tilespmem:v49+s10+$0x0], $0xffff  }
0x49: {  	v34 =	vor.u32 $0x1, v29;
	v35 =	vor.u32 $0x2, v29;
	v36 =	vor.u32 $0x3, v29;
	s25 =	sor.u32 s17, s22;
	v29 =	vld.idx.msk [tilespmem:v29+s10+$0x0], $0xffff  }
0x4a: {  	v63 =	vld [tilespmem:s25+$0x0]  }
0x4b: {  	v55 =	vld.idx.msk [tilespmem:v54+s10+$0x0], $0xffff  }
0x4c: {  	v33 =	vshll.u32 v33, $0x2;
	v57 =	vld.idx.msk [tilespmem:v60+s10+$0x0], $0xffff  }
0x4d: {  	v59 =	vld.idx.msk [tilespmem:v61+s10+$0x0], $0xffff  }
0x4e: {  	v38 =	vor.u32 $0x1, v33;
	v34 =	vld.idx.msk [tilespmem:v34+s10+$0x0], $0xffff  }
0x4f: {  	v39 =	vor.u32 $0x2, v33;
	v35 =	vld.idx.msk [tilespmem:v35+s10+$0x0], $0xffff  }
0x50: {  	v40 =	vor.u32 $0x3, v33;
	s25 =	sadd.s32 $0x2000, s16;
	v36 =	vld.idx.msk [tilespmem:v36+s10+$0x0], $0xffff  }
0x51: {  	v37 =	vshll.u32 v37, $0x2;
	s26 =	sor.u32 s17, s25;
	v33 =	vld.idx.msk [tilespmem:v33+s10+$0x0], $0xffff  }
0x52: {  	v42 =	vor.u32 $0x1, v37;
	v61 =	vld [tilespmem:s26+$0x0]  }
0x53: {  	v43 =	vor.u32 $0x2, v37;
	v38 =	vld.idx.msk [tilespmem:v38+s10+$0x0], $0xffff  }
0x54: {  	v44 =	vor.u32 $0x3, v37;
	v39 =	vld.idx.msk [tilespmem:v39+s10+$0x0], $0xffff  }
0x55: {  	v41 =	vshll.u32 v41, $0x2;
	v40 =	vld.idx.msk [tilespmem:v40+s10+$0x0], $0xffff  }
0x56: {  	v46 =	vor.u32 $0x1, v41;
	v37 =	vld.idx.msk [tilespmem:v37+s10+$0x0], $0xffff  }
0x57: {  	v47 =	vor.u32 $0x2, v41;
	v42 =	vld.idx.msk [tilespmem:v42+s10+$0x0], $0xffff  }
0x58: {  	v48 =	vor.u32 $0x3, v41;
	v0 =	vadd.f32 $0.0e+00, v0;
	v43 =	vld.idx.msk [tilespmem:v43+s10+$0x0], $0xffff  }
0x59: {  	v56 =	vor.u32 $0x1, v62;
	v2 =	vadd.f32 $0.0e+00, v2;
	v3 =	vadd.f32 $0.0e+00, v3;
	v44 =	vld.idx.msk [tilespmem:v44+s10+$0x0], $0xffff  }
0x5a: {  	v45 =	vshll.u32 v45, $0x2;
	v4 =	vadd.f32 $0.0e+00, v4;
	v0 =	vadd.f32 v1, v0;
	v41 =	vld.idx.msk [tilespmem:v41+s10+$0x0], $0xffff  }
0x5b: {  	v58 =	vor.u32 $0x2, v62;
	v2 =	vadd.f32 v6, v2;
	v3 =	vadd.f32 v7, v3;
	v46 =	vld.idx.msk [tilespmem:v46+s10+$0x0], $0xffff  }
0x5c: {  	v60 =	vor.u32 $0x3, v62;
	v4 =	vadd.f32 v8, v4;
	v47 =	vld.idx.msk [tilespmem:v47+s10+$0x0], $0xffff;
	v0 =	vadd.f32 v5, v0  }
0x5d: {  	v50 =	vor.u32 $0x1, v45;
	v48 =	vld.idx.msk [tilespmem:v48+s10+$0x0], $0xffff;
	v2 =	vadd.f32 v10, v2;
	v3 =	vadd.f32 v11, v3  }
0x5e: {  	v51 =	vor.u32 $0x2, v45;
	v5 =	vld.idx.msk [tilespmem:v62+s10+$0x0], $0xffff;
	v4 =	vadd.f32 v12, v4;
	v0 =	vadd.f32 v9, v0  }
0x5f: {  	v52 =	vor.u32 $0x3, v45;
	v45 =	vld.idx.msk [tilespmem:v45+s10+$0x0], $0xffff;
	v2 =	vadd.f32 v14, v2;
	v3 =	vadd.f32 v15, v3  }
0x60: {  	v7 =	vshll.u32 v63, $0x2;
	v10 =	vld.idx.msk [tilespmem:v56+s10+$0x0], $0xffff;
	v4 =	vadd.f32 v16, v4;
	v0 =	vadd.f32 v13, v0  }
0x61: {  	v62 =	vor.u32 $0x1, v7;
	v12 =	vld.idx.msk [tilespmem:v58+s10+$0x0], $0xffff;
	v2 =	vadd.f32 v18, v2;
	v3 =	vadd.f32 v19, v3  }
0x62: {  	v50 =	vld.idx.msk [tilespmem:v50+s10+$0x0], $0xffff;
	v4 =	vadd.f32 v20, v4;
	v0 =	vadd.f32 v17, v0  }
0x63: {  	v63 =	vor.u32 $0x2, v7;
	v1 =	vld.idx.msk [tilespmem:v51+s10+$0x0], $0xffff;
	v2 =	vadd.f32 v22, v2;
	v3 =	vadd.f32 v23, v3  }
0x64: {  	v6 =	vld.idx.msk [tilespmem:v52+s10+$0x0], $0xffff;
	v4 =	vadd.f32 v24, v4;
	v0 =	vadd.f32 v21, v0  }
0x65: {  	s26 =	sadd.s32 $0x2080, s16;
	v14 =	vld.idx.msk [tilespmem:v60+s10+$0x0], $0xffff;
	v15 =	vshll.u32 v61, $0x2;
	v2 =	vadd.f32 v26, v2;
	v3 =	vadd.f32 v27, v3  }
0x66: {  	s28 =	sor.u32 s17, s26;
	v16 =	vld.idx.msk [tilespmem:v62+s10+$0x0], $0xffff;
	v4 =	vadd.f32 v28, v4;
	v0 =	vadd.f32 v25, v0  }
0x67: {  	v26 =	vor.u32 $0x3, v7;
	v2 =	vadd.f32 v30, v2;
	v30 =	vld [tilespmem:s28+$0x0];
	v3 =	vadd.f32 v31, v3  }
0x68: {  	v17 =	vld.idx.msk [tilespmem:v63+s10+$0x0], $0xffff;
	v31 =	vor.u32 $0x1, v15;
	v4 =	vadd.f32 v32, v4;
	v0 =	vadd.f32 v29, v0  }
0x69: {  	v7 =	vld.idx.msk [tilespmem:v7+s10+$0x0], $0xffff;
	s28 =	sadd.s32 $0x2100, s16;
	v2 =	vadd.f32 v34, v2;
	v34 =	vor.u32 $0x2, v15;
	v3 =	vadd.f32 v35, v3  }
0x6a: {  	s29 =	sor.u32 s17, s28;
	v4 =	vadd.f32 v36, v4;
	v36 =	vor.u32 $0x3, v15;
	v15 =	vld.idx.msk [tilespmem:v15+s10+$0x0], $0xffff;
	v0 =	vadd.f32 v33, v0  }
0x6b: {  	v2 =	vadd.f32 v38, v2;
	v38 =	vld [tilespmem:s29+$0x0]  }
0x6c: {  	v18 =	vld.idx.msk [tilespmem:v26+s10+$0x0], $0xffff;
	v3 =	vadd.f32 v39, v3;
	s29 =	sadd.s32 $0x2180, s16;
	v0 =	vadd.f32 v37, v0;
	v19 =	vshll.u32 v30, $0x2  }
0x6d: {  	v4 =	vadd.f32 v40, v4;
	v20 =	vld.idx.msk [tilespmem:v31+s10+$0x0], $0xffff;
	s30 =	sor.u32 s17, s29;
	v2 =	vadd.f32 v42, v2;
	v42 =	vor.u32 $0x1, v19  }
0x6e: {  	v3 =	vadd.f32 v43, v3;
	v43 =	vor.u32 $0x2, v19;
	v49 =	vld [tilespmem:s30+$0x0];
	v0 =	vadd.f32 v41, v0  }
0x6f: {  	v4 =	vadd.f32 v44, v4;
	v21 =	vld.idx.msk [tilespmem:v34+s10+$0x0], $0xffff;
	v2 =	vadd.f32 v46, v2;
	v46 =	vor.u32 $0x3, v19  }
0x70: {  	v22 =	vld.idx.msk [tilespmem:v36+s10+$0x0], $0xffff;
	v3 =	vadd.f32 v47, v3;
	v0 =	vadd.f32 v45, v0;
	v23 =	vshll.u32 v38, $0x2  }
0x71: {  	v4 =	vadd.f32 v48, v4;
	v2 =	vadd.f32 v50, v2;
	v19 =	vld.idx.msk [tilespmem:v19+s10+$0x0], $0xffff;
	v51 =	vor.u32 $0x1, v23  }
0x72: {  	v1 =	vadd.f32 v1, v3;
	v0 =	vadd.f32 v53, v0;
	v52 =	vld.idx.msk [tilespmem:v42+s10+$0x0], $0xffff;
	v53 =	vor.u32 $0x2, v23  }
0x73: {  	v4 =	vadd.f32 v6, v4;
	v54 =	vld.idx.msk [tilespmem:v43+s10+$0x0], $0xffff;
	v2 =	vadd.f32 v55, v2;
	v55 =	vor.u32 $0x3, v23  }
0x74: {  	v1 =	vadd.f32 v57, v1;
	v57 =	vshll.u32 v49, $0x2;
	v0 =	vadd.f32 v5, v0;
	v56 =	vld.idx.msk [tilespmem:v46+s10+$0x0], $0xffff  }
0x75: {  	v4 =	vadd.f32 v59, v4;
	v59 =	vor.u32 $0x1, v57;
	v2 =	vadd.f32 v10, v2;
	v58 =	vld.idx.msk [tilespmem:v23+s10+$0x0], $0xffff  }
0x76: {  	v61 =	vor.u32 $0x2, v57;
	v1 =	vadd.f32 v12, v1;
	v0 =	vadd.f32 v7, v0;
	v60 =	vld.idx.msk [tilespmem:v51+s10+$0x0], $0xffff  }
0x77: {  	v62 =	vor.u32 $0x3, v57;
	v4 =	vadd.f32 v14, v4;
	v2 =	vadd.f32 v16, v2;
	v8 =	vld.idx.msk [tilespmem:v53+s10+$0x0], $0xffff  }
0x78: {  	v1 =	vadd.f32 v17, v1;
	v0 =	vadd.f32 v15, v0;
	v9 =	vld.idx.msk [tilespmem:v55+s10+$0x0], $0xffff  }
0x79: {  	v4 =	vadd.f32 v18, v4;
	v11 =	vld.idx.msk [tilespmem:v57+s10+$0x0], $0xffff;
	v2 =	vadd.f32 v20, v2  }
0x7a: {  	v1 =	vadd.f32 v21, v1;
	v13 =	vld.idx.msk [tilespmem:v59+s10+$0x0], $0xffff;
	v0 =	vadd.f32 v19, v0  }
0x7b: {  	v4 =	vadd.f32 v22, v4;
	v63 =	vld.idx.msk [tilespmem:v61+s10+$0x0], $0xffff;
	v2 =	vadd.f32 v52, v2  }
0x7c: {  	s31 =	sshll.u32 s14, $0x7;
	v12 =	vld.idx.msk [tilespmem:v62+s10+$0x0], $0xffff;
	v1 =	vadd.f32 v54, v1;
	v0 =	vadd.f32 v58, v0  }
0x7d: {  	s30 =	sand.u32 $0x3FFFFE00, s31;
	v4 =	vadd.f32 v56, v4;
	v2 =	vadd.f32 v60, v2  }
0x7e: {  	s30 =	sadd.s32 $0x3100, s30;
	v1 =	vadd.f32 v8, v1;
	v0 =	vadd.f32 v11, v0  }
0x7f: {  	s31 =	sor.u32 s17, s30;
	v4 =	vadd.f32 v9, v4;
	v2 =	vadd.f32 v13, v2  }
0x80: {  	v1 =	vadd.f32 v63, v1;
	[tilespmem:s31+$0x0] =	vst v0  }
0x81: {  	v13 =	vadd.f32 v12, v4;
	[tilespmem:s31+$0x80] =	vst v2  }
0x82: {  	s17 =	sor.u32 $0x10, s17;
	[tilespmem:s31+$0x100] =	vst v1  }
0x83: {  	s16 =	sor.u32 s17, s16;
	[tilespmem:s31+$0x180] =	vst v13  }
0x84: {  	v0 =	vld [tilespmem:s16+$0x0]  }
0x85: {  	v1 =	vld [tilespmem:s16+$0x80]  }
0x86: {  	v17 =	vld [tilespmem:s16+$0x100]  }
0x87: {  	v21 =	vld [tilespmem:s16+$0x180]  }
0x88: {  	v25 =	vld [tilespmem:s16+$0x200]  }
0x89: {  	v29 =	vld [tilespmem:s16+$0x280]  }
0x8a: {  	v33 =	vld [tilespmem:s16+$0x300]  }
0x8b: {  	s15 =	sor.u32 s17, s15;
	v37 =	vld [tilespmem:s16+$0x380]  }
0x8c: {  	v41 =	vld [tilespmem:s15+$0x0];
	s16 =	sor.u32 s17, s18  }
0x8d: {  	s18 =	sor.u32 s17, s19;
	v45 =	vld [tilespmem:s16+$0x0];
	v0 =	vshll.u32 v0, $0x2  }
0x8e: {  	s19 =	sor.u32 s17, s20;
	v49 =	vld [tilespmem:s18+$0x0];
	v1 =	vshll.u32 v1, $0x2  }
0x8f: {  	s20 =	sor.u32 s17, s21;
	v53 =	vld [tilespmem:s19+$0x0];
	v5 =	vshll.u32 v17, $0x2  }
0x90: {  	s21 =	sor.u32 s17, s23;
	v57 =	vld [tilespmem:s20+$0x0];
	v9 =	vshll.u32 v21, $0x2;
	v13 =	vshll.u32 v25, $0x2;
	v17 =	vshll.u32 v29, $0x2  }
0x91: {  	v61 =	vld [tilespmem:s21+$0x0];
	v21 =	vshll.u32 v33, $0x2;
	v25 =	vshll.u32 v37, $0x2;
	v29 =	vshll.u32 v41, $0x2  }
0x92: {  	v14 =	vor.u32 $0x1, v0;
	v15 =	vor.u32 $0x2, v0;
	v16 =	vor.u32 $0x3, v0;
	v0 =	vld.idx.msk [tilespmem:v0+s10+$0x0], $0xffff  }
0x93: {  	v18 =	vor.u32 $0x1, v1;
	v19 =	vor.u32 $0x2, v1;
	v20 =	vor.u32 $0x3, v1;
	v1 =	vld.idx.msk [tilespmem:v1+s10+$0x0], $0xffff  }
0x94: {  	v22 =	vor.u32 $0x1, v5;
	v23 =	vor.u32 $0x2, v5;
	v24 =	vor.u32 $0x3, v5;
	v5 =	vld.idx.msk [tilespmem:v5+s10+$0x0], $0xffff  }
0x95: {  	v26 =	vor.u32 $0x1, v9;
	v27 =	vor.u32 $0x2, v9;
	v28 =	vor.u32 $0x3, v9;
	v9 =	vld.idx.msk [tilespmem:v9+s10+$0x0], $0xffff  }
0x96: {  	v30 =	vor.u32 $0x1, v13;
	v31 =	vor.u32 $0x2, v13;
	v32 =	vor.u32 $0x3, v13;
	v13 =	vld.idx.msk [tilespmem:v13+s10+$0x0], $0xffff  }
0x97: {  	v34 =	vor.u32 $0x1, v17;
	v35 =	vor.u32 $0x2, v17;
	v36 =	vor.u32 $0x3, v17;
	v17 =	vld.idx.msk [tilespmem:v17+s10+$0x0], $0xffff  }
0x98: {  	v38 =	vor.u32 $0x1, v21;
	v39 =	vor.u32 $0x2, v21;
	v40 =	vor.u32 $0x3, v21;
	v21 =	vld.idx.msk [tilespmem:v21+s10+$0x0], $0xffff  }
0x99: {  	v42 =	vor.u32 $0x1, v25;
	v43 =	vor.u32 $0x2, v25;
	v44 =	vor.u32 $0x3, v25;
	v25 =	vld.idx.msk [tilespmem:v25+s10+$0x0], $0xffff  }
0x9a: {  	v46 =	vor.u32 $0x1, v29;
	v47 =	vor.u32 $0x2, v29;
	v48 =	vor.u32 $0x3, v29;
	v29 =	vld.idx.msk [tilespmem:v29+s10+$0x0], $0xffff  }
0x9b: {  	v2 =	vld.idx.msk [tilespmem:v14+s10+$0x0], $0xffff  }
0x9c: {  	v3 =	vld.idx.msk [tilespmem:v15+s10+$0x0], $0xffff  }
0x9d: {  	v4 =	vld.idx.msk [tilespmem:v16+s10+$0x0], $0xffff  }
0x9e: {  	v6 =	vld.idx.msk [tilespmem:v18+s10+$0x0], $0xffff  }
0x9f: {  	v7 =	vld.idx.msk [tilespmem:v19+s10+$0x0], $0xffff  }
0xa0: {  	v8 =	vld.idx.msk [tilespmem:v20+s10+$0x0], $0xffff  }
0xa1: {  	v10 =	vld.idx.msk [tilespmem:v22+s10+$0x0], $0xffff  }
0xa2: {  	v11 =	vld.idx.msk [tilespmem:v23+s10+$0x0], $0xffff  }
0xa3: {  	v12 =	vld.idx.msk [tilespmem:v24+s10+$0x0], $0xffff  }
0xa4: {  	v14 =	vld.idx.msk [tilespmem:v26+s10+$0x0], $0xffff  }
0xa5: {  	v15 =	vld.idx.msk [tilespmem:v27+s10+$0x0], $0xffff  }
0xa6: {  	v16 =	vld.idx.msk [tilespmem:v28+s10+$0x0], $0xffff  }
0xa7: {  	v18 =	vld.idx.msk [tilespmem:v30+s10+$0x0], $0xffff  }
0xa8: {  	v19 =	vld.idx.msk [tilespmem:v31+s10+$0x0], $0xffff  }
0xa9: {  	v20 =	vld.idx.msk [tilespmem:v32+s10+$0x0], $0xffff  }
0xaa: {  	v22 =	vld.idx.msk [tilespmem:v34+s10+$0x0], $0xffff  }
0xab: {  	v23 =	vld.idx.msk [tilespmem:v35+s10+$0x0], $0xffff  }
0xac: {  	v24 =	vld.idx.msk [tilespmem:v36+s10+$0x0], $0xffff  }
0xad: {  	v26 =	vld.idx.msk [tilespmem:v38+s10+$0x0], $0xffff  }
0xae: {  	v27 =	vld.idx.msk [tilespmem:v39+s10+$0x0], $0xffff  }
0xaf: {  	v28 =	vld.idx.msk [tilespmem:v40+s10+$0x0], $0xffff  }
0xb0: {  	v30 =	vld.idx.msk [tilespmem:v42+s10+$0x0], $0xffff  }
0xb1: {  	v33 =	vshll.u32 v45, $0x2;
	v31 =	vld.idx.msk [tilespmem:v43+s10+$0x0], $0xffff  }
0xb2: {  	v37 =	vshll.u32 v49, $0x2;
	v32 =	vld.idx.msk [tilespmem:v44+s10+$0x0], $0xffff  }
0xb3: {  	v41 =	vshll.u32 v53, $0x2;
	v34 =	vld.idx.msk [tilespmem:v46+s10+$0x0], $0xffff  }
0xb4: {  	v45 =	vshll.u32 v57, $0x2;
	v35 =	vld.idx.msk [tilespmem:v47+s10+$0x0], $0xffff  }
0xb5: {  	v49 =	vshll.u32 v61, $0x2;
	v36 =	vld.idx.msk [tilespmem:v48+s10+$0x0], $0xffff  }
0xb6: {  	v50 =	vor.u32 $0x1, v33;
	v51 =	vor.u32 $0x2, v33;
	v52 =	vor.u32 $0x3, v33;
	v33 =	vld.idx.msk [tilespmem:v33+s10+$0x0], $0xffff  }
0xb7: {  	v54 =	vor.u32 $0x1, v37;
	v55 =	vor.u32 $0x2, v37;
	v56 =	vor.u32 $0x3, v37;
	v37 =	vld.idx.msk [tilespmem:v37+s10+$0x0], $0xffff  }
0xb8: {  	v58 =	vor.u32 $0x1, v41;
	v59 =	vor.u32 $0x2, v41;
	v60 =	vor.u32 $0x3, v41;
	v41 =	vld.idx.msk [tilespmem:v41+s10+$0x0], $0xffff  }
0xb9: {  	v62 =	vor.u32 $0x1, v45;
	v63 =	vor.u32 $0x2, v45;
	v57 =	vor.u32 $0x3, v45;
	v45 =	vld.idx.msk [tilespmem:v45+s10+$0x0], $0xffff  }
0xba: {  	v53 =	vld.idx.msk [tilespmem:v49+s10+$0x0], $0xffff  }
0xbb: {  	v38 =	vld.idx.msk [tilespmem:v50+s10+$0x0], $0xffff  }
0xbc: {  	v39 =	vld.idx.msk [tilespmem:v51+s10+$0x0], $0xffff  }
0xbd: {  	v40 =	vld.idx.msk [tilespmem:v52+s10+$0x0], $0xffff  }
0xbe: {  	v43 =	vld.idx.msk [tilespmem:v55+s10+$0x0], $0xffff  }
0xbf: {  	v44 =	vld.idx.msk [tilespmem:v56+s10+$0x0], $0xffff  }
0xc0: {  	v46 =	vld.idx.msk [tilespmem:v58+s10+$0x0], $0xffff  }
0xc1: {  	v47 =	vld.idx.msk [tilespmem:v59+s10+$0x0], $0xffff  }
0xc2: {  	s23 =	sor.u32 s17, s24;
	v48 =	vld.idx.msk [tilespmem:v60+s10+$0x0], $0xffff;
	v59 =	vor.u32 $0x1, v49  }
0xc3: {  	v61 =	vor.u32 $0x3, v49;
	v58 =	vld [tilespmem:s23+$0x0];
	v0 =	vadd.f32 $0.0e+00, v0  }
0xc4: {  	v50 =	vld.idx.msk [tilespmem:v62+s10+$0x0], $0xffff;
	v2 =	vadd.f32 $0.0e+00, v2;
	v3 =	vadd.f32 $0.0e+00, v3  }
0xc5: {  	s24 =	sor.u32 s17, s22;
	v4 =	vadd.f32 $0.0e+00, v4;
	v0 =	vadd.f32 v1, v0;
	v1 =	vld.idx.msk [tilespmem:v63+s10+$0x0], $0xffff  }
0xc6: {  	v60 =	vor.u32 $0x2, v49;
	v63 =	vld [tilespmem:s24+$0x0];
	v2 =	vadd.f32 v6, v2;
	v3 =	vadd.f32 v7, v3  }
0xc7: {  	v55 =	vld.idx.msk [tilespmem:v59+s10+$0x0], $0xffff;
	v4 =	vadd.f32 v8, v4;
	v0 =	vadd.f32 v5, v0  }
0xc8: {  	s25 =	sor.u32 s17, s25;
	v62 =	vshll.u32 v58, $0x2;
	v59 =	vld.idx.msk [tilespmem:v61+s10+$0x0], $0xffff;
	v2 =	vadd.f32 v10, v2;
	v3 =	vadd.f32 v11, v3  }
0xc9: {  	v61 =	vld [tilespmem:s25+$0x0];
	v56 =	vor.u32 $0x1, v62;
	v4 =	vadd.f32 v12, v4;
	v0 =	vadd.f32 v9, v0  }
0xca: {  	v6 =	vld.idx.msk [tilespmem:v57+s10+$0x0], $0xffff;
	v58 =	vor.u32 $0x2, v62;
	v2 =	vadd.f32 v14, v2;
	v3 =	vadd.f32 v15, v3  }
0xcb: {  	v57 =	vld.idx.msk [tilespmem:v60+s10+$0x0], $0xffff;
	v60 =	vor.u32 $0x3, v62;
	v4 =	vadd.f32 v16, v4;
	v0 =	vadd.f32 v13, v0  }
0xcc: {  	v42 =	vld.idx.msk [tilespmem:v54+s10+$0x0], $0xffff;
	v7 =	vshll.u32 v63, $0x2;
	v2 =	vadd.f32 v18, v2;
	v3 =	vadd.f32 v19, v3  }
0xcd: {  	v5 =	vld.idx.msk [tilespmem:v62+s10+$0x0], $0xffff;
	v4 =	vadd.f32 v20, v4;
	v0 =	vadd.f32 v17, v0  }
0xce: {  	v10 =	vld.idx.msk [tilespmem:v56+s10+$0x0], $0xffff;
	v62 =	vor.u32 $0x1, v7;
	v2 =	vadd.f32 v22, v2;
	v3 =	vadd.f32 v23, v3  }
0xcf: {  	v12 =	vld.idx.msk [tilespmem:v58+s10+$0x0], $0xffff;
	v63 =	vor.u32 $0x2, v7;
	v4 =	vadd.f32 v24, v4;
	v0 =	vadd.f32 v21, v0  }
0xd0: {  	v15 =	vshll.u32 v61, $0x2;
	v14 =	vld.idx.msk [tilespmem:v60+s10+$0x0], $0xffff;
	v2 =	vadd.f32 v26, v2;
	v3 =	vadd.f32 v27, v3  }
0xd1: {  	s26 =	sor.u32 s17, s26;
	v26 =	vor.u32 $0x3, v7;
	v7 =	vld.idx.msk [tilespmem:v7+s10+$0x0], $0xffff;
	v4 =	vadd.f32 v28, v4;
	v0 =	vadd.f32 v25, v0  }
0xd2: {  	v2 =	vadd.f32 v30, v2;
	v30 =	vld [tilespmem:s26+$0x0];
	v3 =	vadd.f32 v31, v3  }
0xd3: {  	v16 =	vld.idx.msk [tilespmem:v62+s10+$0x0], $0xffff;
	v31 =	vor.u32 $0x1, v15;
	v4 =	vadd.f32 v32, v4;
	v0 =	vadd.f32 v29, v0  }
0xd4: {  	v17 =	vld.idx.msk [tilespmem:v63+s10+$0x0], $0xffff;
	v2 =	vadd.f32 v34, v2;
	v34 =	vor.u32 $0x2, v15;
	v3 =	vadd.f32 v35, v3  }
0xd5: {  	s28 =	sor.u32 s17, s28;
	v4 =	vadd.f32 v36, v4;
	v36 =	vor.u32 $0x3, v15;
	v15 =	vld.idx.msk [tilespmem:v15+s10+$0x0], $0xffff;
	v0 =	vadd.f32 v33, v0  }
0xd6: {  	v2 =	vadd.f32 v38, v2;
	v38 =	vld [tilespmem:s28+$0x0]  }
0xd7: {  	v18 =	vld.idx.msk [tilespmem:v26+s10+$0x0], $0xffff;
	v3 =	vadd.f32 v39, v3;
	v0 =	vadd.f32 v37, v0;
	v19 =	vshll.u32 v30, $0x2  }
0xd8: {  	v4 =	vadd.f32 v40, v4;
	v20 =	vld.idx.msk [tilespmem:v31+s10+$0x0], $0xffff;
	v2 =	vadd.f32 v42, v2;
	v42 =	vor.u32 $0x1, v19  }
0xd9: {  	s29 =	sor.u32 s17, s29;
	v3 =	vadd.f32 v43, v3;
	v43 =	vor.u32 $0x2, v19;
	v0 =	vadd.f32 v41, v0;
	v21 =	vld.idx.msk [tilespmem:v34+s10+$0x0], $0xffff  }
0xda: {  	v4 =	vadd.f32 v44, v4;
	v44 =	vor.u32 $0x3, v19;
	v2 =	vadd.f32 v46, v2;
	v46 =	vld [tilespmem:s29+$0x0]  }
0xdb: {  	v22 =	vld.idx.msk [tilespmem:v36+s10+$0x0], $0xffff;
	v3 =	vadd.f32 v47, v3;
	v0 =	vadd.f32 v45, v0;
	v23 =	vshll.u32 v38, $0x2  }
0xdc: {  	v4 =	vadd.f32 v48, v4;
	v2 =	vadd.f32 v50, v2;
	v19 =	vld.idx.msk [tilespmem:v19+s10+$0x0], $0xffff;
	v49 =	vor.u32 $0x1, v23  }
0xdd: {  	v1 =	vadd.f32 v1, v3;
	v51 =	vor.u32 $0x2, v23;
	v0 =	vadd.f32 v53, v0;
	v50 =	vld.idx.msk [tilespmem:v42+s10+$0x0], $0xffff  }
0xde: {  	v4 =	vadd.f32 v6, v4;
	v52 =	vld.idx.msk [tilespmem:v43+s10+$0x0], $0xffff;
	v53 =	vor.u32 $0x3, v23;
	v2 =	vadd.f32 v55, v2  }
0xdf: {  	v54 =	vld.idx.msk [tilespmem:v44+s10+$0x0], $0xffff;
	v1 =	vadd.f32 v57, v1;
	v0 =	vadd.f32 v5, v0;
	v55 =	vshll.u32 v46, $0x2  }
0xe0: {  	v4 =	vadd.f32 v59, v4;
	v2 =	vadd.f32 v10, v2;
	v56 =	vld.idx.msk [tilespmem:v23+s10+$0x0], $0xffff;
	v57 =	vor.u32 $0x1, v55  }
0xe1: {  	v1 =	vadd.f32 v12, v1;
	v59 =	vor.u32 $0x2, v55;
	v0 =	vadd.f32 v7, v0;
	v58 =	vld.idx.msk [tilespmem:v49+s10+$0x0], $0xffff  }
0xe2: {  	v4 =	vadd.f32 v14, v4;
	v60 =	vor.u32 $0x3, v55;
	v8 =	vld.idx.msk [tilespmem:v51+s10+$0x0], $0xffff;
	v2 =	vadd.f32 v16, v2  }
0xe3: {  	v1 =	vadd.f32 v17, v1;
	v9 =	vld.idx.msk [tilespmem:v53+s10+$0x0], $0xffff;
	v0 =	vadd.f32 v15, v0  }
0xe4: {  	v4 =	vadd.f32 v18, v4;
	v2 =	vadd.f32 v20, v2;
	v11 =	vld.idx.msk [tilespmem:v55+s10+$0x0], $0xffff  }
0xe5: {  	v1 =	vadd.f32 v21, v1;
	v0 =	vadd.f32 v19, v0;
	v13 =	vld.idx.msk [tilespmem:v57+s10+$0x0], $0xffff  }
0xe6: {  	v4 =	vadd.f32 v22, v4;
	v61 =	vld.idx.msk [tilespmem:v59+s10+$0x0], $0xffff;
	v2 =	vadd.f32 v50, v2  }
0xe7: {  	v62 =	vld.idx.msk [tilespmem:v60+s10+$0x0], $0xffff;
	v1 =	vadd.f32 v52, v1;
	v0 =	vadd.f32 v56, v0  }
0xe8: {  	v4 =	vadd.f32 v54, v4;
	v2 =	vadd.f32 v58, v2  }
0xe9: {  	p0 =	sne.s32 s14, $0xF;
	v1 =	vadd.f32 v8, v1;
	v0 =	vadd.f32 v11, v0  }
.Ltmp0:
0xea: {  	s31 =	sor.u32 s17, s30;
	v4 =	vadd.f32 v9, v4;
	v2 =	vadd.f32 v13, v2;
	(pc) =	sbr.rel @p0 .LBB2_2-.Ltmp0, $4  }
0xeb: {  	v1 =	vadd.f32 v61, v1;
	[tilespmem:s31+$0x0] =	vst v0  }
0xec: {  	v63 =	vadd.f32 v62, v4;
	[tilespmem:s31+$0x80] =	vst v2  }
0xed: {  	[tilespmem:s31+$0x100] =	vst v1  }
0xee: {  	s13 =	sadd.s32 $0x20, s13;
	s14 =	sadd.s32 $0x1, s14;
	[tilespmem:s31+$0x180] =	vst v63  }
0xef: {  	s12 =	sadd.s32 $0x1, s12  }
0xf0: {  	p0 =	sne.s32 s12, s6  }
.Ltmp1:
0xf1: {  	_ = 	snop;
	(pc) =	sbr.rel @p0 .LBB2_1-.Ltmp1, $4  }
0xf2: {  	[hbm4b:s5+s2] =	stream.linear.scatter [tilespmem:s11], [sflag:$0x1], $0x800, $0x38;
	[tilespmem:$0x3900] =	vst v63  }
0xf3: {  	_ =	swait.ge [sflag:s9], $0x800  }
0xf4: {  	[sflag:s9] =	ssyncset.done $0x0  }
0xf5: {  	[sflag:s9] =	ssyncadd.s32 $0xFFFFF800  }
0xf6: {  	_ =	sfence.sel $0x180000  }
0xf7: {  	[bflag:$0x0] =	sbarrier.arrive $0xFFFF  }
0xf8: {  	p0 =	sne.s32 s1, $0x0;
	_ =	strace $0x90000047  }
0xf9: {  	s0 =	sadd.s32 @!p0 $0x100000, s0;
	[bflag:$0x2] =	sbarrier.arrive $0xFFFF  }
0xfa: {  	[sflag:s0] =	ssyncadd.tile.s32 @!p0 $0x1;
	_ =	shalt  }
.Lfunc_end2:
_tile_overlayer_lowered:
.L_overlay_start_2:
0xfb: {  	(tag) =	ssettag $0x2  }
0xfc: {  	s0 =	rddreg [dreg:$0x0];
	s2 =	stileid.u32  }
0xfd: {  	s1 =	rddreg [dreg:$0x1];
	p0 =	sne.s32 s2, $0x0  }
0xfe: {  	s3 =	rddreg [dreg:$0x2];
	[bflag:$0x3] =	sbarrier.arrive $0xFFFF;
	s2 =	simm.s32 @!p0 $0x1C01  }
0xff: {  	[timem:s3], [sflag:s2] =	dma.local @!p0 [hbm:s0], s1  }
0x100: {  	s0 =	simm.s32 @!p0 $0x1  }
0x101: {  	_ =	swait.ge @!p0 [sflag:s0], s1  }
0x102: {  	s1 =	ssub.s32 @!p0 $0x0, s1;
	[sflag:s0] =	ssyncset.done @!p0 $0x0  }
0x103: {  	[sflag:s0] =	ssyncadd.s32 @!p0 s1  }
0x104: {  	[bflag:$0x3] =	sbarrier.arrive $0xFFFF  }
0x105: {  	_ =	shalt  }

</sc_bundles>
